<compile_context>
chip_gen: v7x
topology: tpu7x:2x2x1
jax: 0.10.2.dev20260603
libtpu: 0.0.44.dev20260713+nightly
codegen_flags: <defaults>
</compile_context>

<pallas_src>
import jax
import jax.numpy as jnp
from jax import lax
from jax.experimental import pallas as pl
from jax.experimental.pallas import tpu as pltpu
from jax.experimental.pallas import tpu_sc as plsc

M, D, B = 100000, 128, 4096
NC, NS, L = 2, 16, 16
NW = NC * NS
BPW = B // NW
BPC = B // NC
WPT = B // NS
GPT = WPT // L
NV = B // L
NVC = BPC // L
SHIFT = 13
MASKJ = (1 << SHIFT) - 1

_DNUMS = lax.GatherDimensionNumbers(
    offset_dims=(), collapsed_slice_dims=(0,), start_index_map=(0,))


def _body(mem_h, widx_h, sval_h, sidx_h, neg1_h, out_h,
          owner_v, wslice_v, stage_v, stage_full_v, sidx_sc_v, ovr_v,
          sidx_v, rows_v, shared_stage, shared_ovr, sem, sem2, sem3, sem4):
    c = lax.axis_index("c")
    s = lax.axis_index("s")
    wid = c * NS + s
    base = wid * BPW

    pltpu.sync_copy(sidx_h.at[pl.ds(base, BPW)], sidx_v)
    rows_dma = pltpu.async_copy(mem_h.at[sidx_v], rows_v, sem)

    @pl.when(s == 0)
    def _owner_init():
        pltpu.async_copy(neg1_h, owner_v, sem2)
        pltpu.sync_copy(sidx_h.at[pl.ds(c * BPC, BPC)], sidx_sc_v)

    pltpu.sync_copy(widx_h.at[pl.ds(s * WPT, WPT)], wslice_v)
    iota = lax.iota(jnp.int32, L)
    nxt_lane = jnp.minimum(iota + 1, L - 1)
    last_lane = iota == (L - 1)
    jbase = s * WPT

    @plsc.parallel_loop(0, GPT, unroll=4)
    def _stage(g):
        w16 = wslice_v[pl.ds(g * L, L)]
        key = (w16 << SHIFT) | (jbase + g * L + iota)
        key = plsc.sort_key_val(key, key)[0]
        rows = lax.shift_right_logical(key, SHIFT)
        nxt = lax.gather(rows, nxt_lane[:, None], _DNUMS, (1,),
                         mode=lax.GatherScatterMode.PROMISE_IN_BOUNDS)
        keep = (rows != nxt) | last_lane
        stage_v[pl.ds(g * L, L)] = jnp.where(keep, key, -1)
    pltpu.sync_copy(stage_v, shared_stage.at[pl.ds(s * WPT, WPT)])
    plsc.subcore_barrier()

    @pl.when(s != 0)
    def _early_out():
        rows_dma.wait()
        pltpu.sync_copy(rows_v, out_h.at[pl.ds(base, BPW)])

    @pl.when(s == 0)
    def _owner_work():
        pltpu.sync_copy(shared_stage, stage_full_v)
        rows_dma.wait()
        out_dma = pltpu.async_copy(rows_v, out_h.at[pl.ds(base, BPW)], sem4)
        pltpu.make_async_copy(neg1_h, owner_v, sem2).wait()

        @plsc.parallel_loop(0, NV, unroll=8)
        def _scat(v):
            key = stage_full_v[pl.ds(v * L, L)]
            rows = lax.shift_right_logical(key, SHIFT)
            js = key & MASKJ
            plsc.store_scatter(owner_v, [rows], js, mask=key >= 0)

        @plsc.parallel_loop(0, NVC, unroll=8)
        def _lut(v):
            sv = sidx_sc_v[pl.ds(v * L, L)]
            ovr_v[pl.ds(v * L, L)] = plsc.load_gather(owner_v, [sv])
        pltpu.sync_copy(ovr_v, shared_ovr)
        out_dma.wait()

    plsc.subcore_barrier()

    pltpu.sync_copy(shared_ovr.at[pl.ds(s * BPW, BPW)], sidx_v)

    def patch1(g, cnt):
        ovr16 = sidx_v[pl.ds(g * L, L)]
        for k in range(L):
            o = ovr16[k]

            @pl.when(o >= 0)
            def _():
                pltpu.async_copy(sval_h.at[o], rows_v.at[g * L + k], sem3)

        return cnt + plsc.all_reduce_population_count(ovr16 >= 0)[0]

    cnt = lax.fori_loop(0, BPW // L, patch1, jnp.int32(0))

    def drain(i, carry):
        pltpu.make_async_copy(sval_h.at[0], rows_v.at[0], sem3).wait()
        return carry

    lax.fori_loop(0, cnt, drain, 0)

    def patch2(g, carry):
        ovr16 = sidx_v[pl.ds(g * L, L)]
        for k in range(L):
            o = ovr16[k]

            @pl.when(o >= 0)
            def _():
                pltpu.async_copy(rows_v.at[g * L + k],
                                 out_h.at[base + g * L + k], sem3)

        return carry

    lax.fori_loop(0, BPW // L, patch2, 0)
    lax.fori_loop(0, cnt, drain, 0)


@jax.jit
def kernel(mem, write_idx, s_val, sample_idx):
    widx = write_idx.astype(jnp.int32)
    sidx = sample_idx.astype(jnp.int32)
    neg1 = jnp.full((M,), -1, jnp.int32)
    mesh = plsc.VectorSubcoreMesh(core_axis_name="c", subcore_axis_name="s")
    f = pl.kernel(
        _body,
        out_type=jax.ShapeDtypeStruct((B, D), jnp.float32),
        mesh=mesh,
        compiler_params=pltpu.CompilerParams(needs_layout_passes=False),
        scratch_types=[
            pltpu.VMEM((M,), jnp.int32),
            pltpu.VMEM((WPT,), jnp.int32),
            pltpu.VMEM((WPT,), jnp.int32),
            pltpu.VMEM((B,), jnp.int32),
            pltpu.VMEM((BPC,), jnp.int32),
            pltpu.VMEM((BPC,), jnp.int32),
            pltpu.VMEM((BPW,), jnp.int32),
            pltpu.VMEM((BPW, D), jnp.float32),
            pltpu.VMEM_SHARED((B,), jnp.int32),
            pltpu.VMEM_SHARED((BPC,), jnp.int32),
            pltpu.SemaphoreType.DMA,
            pltpu.SemaphoreType.DMA,
            pltpu.SemaphoreType.DMA,
            pltpu.SemaphoreType.DMA,
        ],
    )
    return f(mem, widx, s_val, sidx, neg1)

# --- scband reference (transcript-rebuilt; emitter-appended) ---
"""Pipeline reference for scband-replay-buffer-55009941127645 (READ-ONLY COPY).

The authoritative reference and input builder live on the scoring server;
editing this copy changes nothing except your own understanding.
"""

import jax, jax.numpy as jnp
import numpy as np

M, D, B = 100000, 128, 4096

def setup_inputs(seed: int = 0) -> dict:
    key = jax.random.key(seed)
    k1, k2, k3, k4 = jax.random.split(key, 4)
    mem = jax.random.normal(k1, (M, D), dtype=jnp.float32)
    s_val = jax.random.normal(k2, (B, D), dtype=jnp.float32)
    write_idx = jax.random.randint(k3, (B,), 0, M, dtype=jnp.int64)
    sample_idx = jax.random.randint(k4, (B,), 0, M, dtype=jnp.int64)
    return {"mem": mem, "write_idx": write_idx, "s_val": s_val, "sample_idx": sample_idx}

def reference(mem, write_idx, s_val, sample_idx):
    # ReplayBuffer.add vectorized: scatter-overwrite transitions into the state buffer
    # (self.s[self.ptr] = s, done for a batch of B pointers at once)
    new_mem = mem.at[write_idx].set(s_val)
    # ReplayBuffer.sample: gather a random minibatch (self.s[ind])
    sampled = jnp.take(new_mem, sample_idx, axis=0)
    return sampled

if __name__ == "__main__":
    import jax
    _d = setup_inputs()
    print(jax.jit(kernel)(*tuple(_d.values())))

</pallas_src>

<mosaic_0001>
#map = affine_map<(d0, d1) -> (0, 0)>
#map1 = affine_map<(d0, d1) -> (0)>
module attributes {stable_mosaic.version = 14 : i64} {
  func.func @_body(%arg0: i32, %arg1: i32, %arg2: memref<100000x128xf32, #tpu.memory_space<hbm>>, %arg3: memref<4096xi32, #tpu.memory_space<hbm>>, %arg4: memref<4096x128xf32, #tpu.memory_space<hbm>>, %arg5: memref<4096xi32, #tpu.memory_space<hbm>>, %arg6: memref<100000xi32, #tpu.memory_space<hbm>>, %arg7: memref<4096x128xf32, #tpu.memory_space<hbm>>, %arg8: memref<100000xi32, #tpu.memory_space<vmem>>, %arg9: memref<256xi32, #tpu.memory_space<vmem>>, %arg10: memref<256xi32, #tpu.memory_space<vmem>>, %arg11: memref<4096xi32, #tpu.memory_space<vmem>>, %arg12: memref<2048xi32, #tpu.memory_space<vmem>>, %arg13: memref<2048xi32, #tpu.memory_space<vmem>>, %arg14: memref<128xi32, #tpu.memory_space<vmem>>, %arg15: memref<128x128xf32, #tpu.memory_space<vmem>>, %arg16: memref<4096xi32, #tpu.memory_space<vmem_shared>>, %arg17: memref<2048xi32, #tpu.memory_space<vmem_shared>>, %arg18: memref<!tpu.dma_semaphore, #tpu.memory_space<semaphore_mem>>, %arg19: memref<!tpu.dma_semaphore, #tpu.memory_space<semaphore_mem>>, %arg20: memref<!tpu.dma_semaphore, #tpu.memory_space<semaphore_mem>>, %arg21: memref<!tpu.dma_semaphore, #tpu.memory_space<semaphore_mem>>) attributes {dimension_semantics = [#tpu.dimension_semantics<core_parallel>, #tpu.dimension_semantics<subcore_parallel>], iteration_bounds = array<i64: 2, 16>, scalar_prefetch = 0 : i64, scratch_operands = 14 : i64, tpu.core_type = #tpu.core_type<sc_vector_subcore>, window_params = [{transform_indices = #map}, {transform_indices = #map1}, {transform_indices = #map}, {transform_indices = #map1}, {transform_indices = #map1}, {transform_indices = #map}]} {
    %mul3A = arith.constant 16 : i32
    %mul3A_0 = arith.muli %arg0, %mul3A : i32
    %add3A = arith.addi %mul3A_0, %arg1 : i32
    %mul3A_1 = arith.constant 128 : i32
    %mul3A_2 = arith.muli %add3A, %mul3A_1 : i32
    "tpu.region"() ({
      %run_scoped3A = tpu.sem_alloc : memref<!tpu.dma_semaphore, #tpu.memory_space<semaphore_mem>>
      %dma_start3A_66 = tpu.memref_slice %arg5[%mul3A_2] : memref<4096xi32, #tpu.memory_space<hbm>> -> memref<128xi32, #tpu.memory_space<hbm>>
      %dma_start3A_67 = tpu.memref_slice %arg5[%mul3A_2] : memref<4096xi32, #tpu.memory_space<hbm>> -> memref<128xi32, #tpu.memory_space<hbm>>
      tpu.enqueue_dma source(%dma_start3A_67 : memref<128xi32, #tpu.memory_space<hbm>>) target(%arg14 : memref<128xi32, #tpu.memory_space<vmem>>) target_semaphore(%run_scoped3A : memref<!tpu.dma_semaphore, #tpu.memory_space<semaphore_mem>>)
      %dma_wait3A = tpu.memref_slice %arg5[%mul3A_2] : memref<4096xi32, #tpu.memory_space<hbm>> -> memref<128xi32, #tpu.memory_space<hbm>>
      %dma_wait3A_68 = tpu.memref_slice %arg5[%mul3A_2] : memref<4096xi32, #tpu.memory_space<hbm>> -> memref<128xi32, #tpu.memory_space<hbm>>
      tpu.wait_dma2 semaphore(%run_scoped3A : memref<!tpu.dma_semaphore, #tpu.memory_space<semaphore_mem>>) src(%dma_wait3A_68 : memref<128xi32, #tpu.memory_space<hbm>>) dst(%arg14 : memref<128xi32, #tpu.memory_space<vmem>>)
      tpu.yield
    }) : () -> ()
    %dma_start3A = arith.constant 0 : i32
    %dma_start3A_3 = arith.constant 0 : i32
    %dma_start3A_4 = tpu.memref_slice %arg2[%dma_start3A, %dma_start3A_3] : memref<100000x128xf32, #tpu.memory_space<hbm>> -> memref<100000x128xf32, #tpu.memory_space<hbm>>
    tpu.enqueue_indirect_dma source(%dma_start3A_4 : memref<100000x128xf32, #tpu.memory_space<hbm>>) target(%arg15 : memref<128x128xf32, #tpu.memory_space<vmem>>) offsets(%arg14 : memref<128xi32, #tpu.memory_space<vmem>>) semaphore(%arg18 : memref<!tpu.dma_semaphore, #tpu.memory_space<semaphore_mem>>)
    %eq3A = arith.constant 0 : i32
    %eq3A_5 = arith.cmpi eq, %arg1, %eq3A : i32
    %convert_element_type3A = arith.extui %eq3A_5 : i1 to i32
    %cond3A = arith.constant 0 : i32
    %cond3A_6 = arith.cmpi ne, %convert_element_type3A, %cond3A : i32
    scf.if %cond3A_6 {
      tpu.enqueue_dma source(%arg6 : memref<100000xi32, #tpu.memory_space<hbm>>) target(%arg8 : memref<100000xi32, #tpu.memory_space<vmem>>) target_semaphore(%arg19 : memref<!tpu.dma_semaphore, #tpu.memory_space<semaphore_mem>>)
      %mul3A_66 = arith.constant 2048 : i32
      %mul3A_67 = arith.muli %arg0, %mul3A_66 : i32
      "tpu.region"() ({
        %run_scoped3A = tpu.sem_alloc : memref<!tpu.dma_semaphore, #tpu.memory_space<semaphore_mem>>
        %dma_start3A_68 = tpu.memref_slice %arg5[%mul3A_67] : memref<4096xi32, #tpu.memory_space<hbm>> -> memref<2048xi32, #tpu.memory_space<hbm>>
        %dma_start3A_69 = tpu.memref_slice %arg5[%mul3A_67] : memref<4096xi32, #tpu.memory_space<hbm>> -> memref<2048xi32, #tpu.memory_space<hbm>>
        tpu.enqueue_dma source(%dma_start3A_69 : memref<2048xi32, #tpu.memory_space<hbm>>) target(%arg12 : memref<2048xi32, #tpu.memory_space<vmem>>) target_semaphore(%run_scoped3A : memref<!tpu.dma_semaphore, #tpu.memory_space<semaphore_mem>>)
        %dma_wait3A = tpu.memref_slice %arg5[%mul3A_67] : memref<4096xi32, #tpu.memory_space<hbm>> -> memref<2048xi32, #tpu.memory_space<hbm>>
        %dma_wait3A_70 = tpu.memref_slice %arg5[%mul3A_67] : memref<4096xi32, #tpu.memory_space<hbm>> -> memref<2048xi32, #tpu.memory_space<hbm>>
        tpu.wait_dma2 semaphore(%run_scoped3A : memref<!tpu.dma_semaphore, #tpu.memory_space<semaphore_mem>>) src(%dma_wait3A_70 : memref<2048xi32, #tpu.memory_space<hbm>>) dst(%arg12 : memref<2048xi32, #tpu.memory_space<vmem>>)
        tpu.yield
      }) : () -> ()
    } else {
    }
    %mul3A_7 = arith.constant 256 : i32
    %mul3A_8 = arith.muli %arg1, %mul3A_7 : i32
    "tpu.region"() ({
      %run_scoped3A = tpu.sem_alloc : memref<!tpu.dma_semaphore, #tpu.memory_space<semaphore_mem>>
      %dma_start3A_66 = tpu.memref_slice %arg3[%mul3A_8] : memref<4096xi32, #tpu.memory_space<hbm>> -> memref<256xi32, #tpu.memory_space<hbm>>
      %dma_start3A_67 = tpu.memref_slice %arg3[%mul3A_8] : memref<4096xi32, #tpu.memory_space<hbm>> -> memref<256xi32, #tpu.memory_space<hbm>>
      tpu.enqueue_dma source(%dma_start3A_67 : memref<256xi32, #tpu.memory_space<hbm>>) target(%arg9 : memref<256xi32, #tpu.memory_space<vmem>>) target_semaphore(%run_scoped3A : memref<!tpu.dma_semaphore, #tpu.memory_space<semaphore_mem>>)
      %dma_wait3A = tpu.memref_slice %arg3[%mul3A_8] : memref<4096xi32, #tpu.memory_space<hbm>> -> memref<256xi32, #tpu.memory_space<hbm>>
      %dma_wait3A_68 = tpu.memref_slice %arg3[%mul3A_8] : memref<4096xi32, #tpu.memory_space<hbm>> -> memref<256xi32, #tpu.memory_space<hbm>>
      tpu.wait_dma2 semaphore(%run_scoped3A : memref<!tpu.dma_semaphore, #tpu.memory_space<semaphore_mem>>) src(%dma_wait3A_68 : memref<256xi32, #tpu.memory_space<hbm>>) dst(%arg9 : memref<256xi32, #tpu.memory_space<vmem>>)
      tpu.yield
    }) : () -> ()
    %iota3A = tpu.iota {dimensions = array<i32: 0>} : vector<16xi32>
    %add3A_9 = arith.constant 1 : i32
    %add3A_10 = vector.broadcast %add3A_9 : i32 to vector<16xi32>
    %add3A_11 = arith.addi %iota3A, %add3A_10 : vector<16xi32>
    %min3A = arith.constant 15 : i32
    %min3A_12 = vector.broadcast %min3A : i32 to vector<16xi32>
    %min3A_13 = arith.minsi %add3A_11, %min3A_12 : vector<16xi32>
    %eq3A_14 = arith.constant 15 : i32
    %eq3A_15 = vector.broadcast %eq3A_14 : i32 to vector<16xi32>
    %eq3A_16 = arith.cmpi eq, %iota3A, %eq3A_15 : vector<16xi32>
    %mul3A_17 = arith.constant 256 : i32
    %mul3A_18 = arith.muli %arg1, %mul3A_17 : i32
    %parallel_loop3A = arith.constant 0 : i32
    %parallel_loop3A_19 = arith.constant 16 : i32
    %parallel_loop3A_20 = arith.constant 1 : i32
    scf.for %parallel_loop3A_66 = %parallel_loop3A to %parallel_loop3A_19 step %parallel_loop3A_20  : i32 {
      %parallel_loop3A_67 = arith.constant 16 : i32
      %parallel_loop3A_68 = arith.muli %parallel_loop3A_66, %parallel_loop3A_67 : i32
      %parallel_loop3A_69 = arith.index_cast %parallel_loop3A_68 : i32 to index
      %parallel_loop3A_70 = tpu.vector_load %arg9[%parallel_loop3A_69] {strides = array<i32>} : memref<256xi32, #tpu.memory_space<vmem>>, vector<16xi32>,
      %parallel_loop3A_71 = arith.constant 13 : i32
      %parallel_loop3A_72 = vector.broadcast %parallel_loop3A_71 : i32 to vector<16xi32>
      %parallel_loop3A_73 = arith.shli %parallel_loop3A_70, %parallel_loop3A_72 : vector<16xi32>
      %parallel_loop3A_74 = arith.constant 16 : i32
      %parallel_loop3A_75 = arith.muli %parallel_loop3A_66, %parallel_loop3A_74 : i32
      %parallel_loop3A_76 = arith.addi %mul3A_18, %parallel_loop3A_75 : i32
      %parallel_loop3A_77 = vector.broadcast %parallel_loop3A_76 : i32 to vector<16xi32>
      %parallel_loop3A_78 = arith.addi %parallel_loop3A_77, %iota3A : vector<16xi32>
      %parallel_loop3A_79 = arith.ori %parallel_loop3A_73, %parallel_loop3A_78 : vector<16xi32>
      %parallel_loop3A_80 = arith.constant dense<true> : vector<16xi1>
      %parallel_loop3A_81 = arith.constant -2147483648 : i32
      %parallel_loop3A_82 = vector.broadcast %parallel_loop3A_81 : i32 to vector<16xi32>
      %parallel_loop3A_83 = arith.xori %parallel_loop3A_79, %parallel_loop3A_82 : vector<16xi32>
      %parallel_loop3A_84, %parallel_loop3A_85, %parallel_loop3A_86 = tpu.sort %parallel_loop3A_83, %parallel_loop3A_79 masked %parallel_loop3A_80 : (vector<16xi32>, vector<16xi32>, vector<16xi1>) -> (vector<16xi1>, vector<16xi32>, vector<16xi32>)
      %parallel_loop3A_87 = arith.xori %parallel_loop3A_85, %parallel_loop3A_82 : vector<16xi32>
      %parallel_loop3A_88 = arith.constant 13 : i32
      %parallel_loop3A_89 = vector.broadcast %parallel_loop3A_88 : i32 to vector<16xi32>
      %parallel_loop3A_90 = arith.shrui %parallel_loop3A_87, %parallel_loop3A_89 : vector<16xi32>
      %parallel_loop3A_91 = vector.shape_cast %min3A_13 : vector<16xi32> to vector<16x1xi32>
      %parallel_loop3A_92 = vector.shape_cast %parallel_loop3A_91 : vector<16x1xi32> to vector<16xi32>
      %parallel_loop3A_93 = tpu.dynamic_gather %parallel_loop3A_90[%parallel_loop3A_92] in [0] : vector<16xi32>, vector<16xi32> -> vector<16xi32>
      %parallel_loop3A_94 = arith.cmpi ne, %parallel_loop3A_90, %parallel_loop3A_93 : vector<16xi32>
      %parallel_loop3A_95 = arith.ori %parallel_loop3A_94, %eq3A_16 : vector<16xi1>
      %parallel_loop3A_96 = arith.constant -1 : i32
      %parallel_loop3A_97 = vector.broadcast %parallel_loop3A_96 : i32 to vector<16xi32>
      %parallel_loop3A_98 = arith.select %parallel_loop3A_95, %parallel_loop3A_87, %parallel_loop3A_97 : vector<16xi1>, vector<16xi32>
      %parallel_loop3A_99 = arith.constant 16 : i32
      %parallel_loop3A_100 = arith.muli %parallel_loop3A_66, %parallel_loop3A_99 : i32
      %parallel_loop3A_101 = arith.index_cast %parallel_loop3A_100 : i32 to index
      %parallel_loop3A_102 = tpu.vector_load %arg10[%parallel_loop3A_101] {strides = array<i32>} : memref<256xi32, #tpu.memory_space<vmem>>, vector<16xi32>,
      tpu.vector_store %arg10[%parallel_loop3A_101], %parallel_loop3A_98 {strides = array<i32>} : memref<256xi32, #tpu.memory_space<vmem>>, vector<16xi32>,
    } {sc.loop_unroll_factor = 4 : i64, sc.parallel_access}
    %mul3A_21 = arith.constant 256 : i32
    %mul3A_22 = arith.muli %arg1, %mul3A_21 : i32
    "tpu.region"() ({
      %run_scoped3A = tpu.sem_alloc : memref<!tpu.dma_semaphore, #tpu.memory_space<semaphore_mem>>
      %dma_start3A_66 = tpu.memref_slice %arg16[%mul3A_22] : memref<4096xi32, #tpu.memory_space<vmem_shared>> -> memref<256xi32, #tpu.memory_space<vmem_shared>>
      %dma_start3A_67 = tpu.memref_slice %arg16[%mul3A_22] : memref<4096xi32, #tpu.memory_space<vmem_shared>> -> memref<256xi32, #tpu.memory_space<vmem_shared>>
      tpu.enqueue_dma source(%arg10 : memref<256xi32, #tpu.memory_space<vmem>>) target(%dma_start3A_67 : memref<256xi32, #tpu.memory_space<vmem_shared>>) target_semaphore(%run_scoped3A : memref<!tpu.dma_semaphore, #tpu.memory_space<semaphore_mem>>)
      %dma_wait3A = tpu.memref_slice %arg16[%mul3A_22] : memref<4096xi32, #tpu.memory_space<vmem_shared>> -> memref<256xi32, #tpu.memory_space<vmem_shared>>
      %dma_wait3A_68 = tpu.memref_slice %arg16[%mul3A_22] : memref<4096xi32, #tpu.memory_space<vmem_shared>> -> memref<256xi32, #tpu.memory_space<vmem_shared>>
      tpu.wait_dma2 semaphore(%run_scoped3A : memref<!tpu.dma_semaphore, #tpu.memory_space<semaphore_mem>>) src(%arg10 : memref<256xi32, #tpu.memory_space<vmem>>) dst(%dma_wait3A_68 : memref<256xi32, #tpu.memory_space<vmem_shared>>)
      tpu.yield
    }) : () -> ()
    %barrier3A = arith.constant 0 : index
    tpu.barrier barrier_id(%barrier3A)
    %ne3A = arith.constant 0 : i32
    %ne3A_23 = arith.cmpi ne, %arg1, %ne3A : i32
    %convert_element_type3A_24 = arith.extui %ne3A_23 : i1 to i32
    %cond3A_25 = arith.constant 0 : i32
    %cond3A_26 = arith.cmpi ne, %convert_element_type3A_24, %cond3A_25 : i32
    scf.if %cond3A_26 {
      %dma_wait3A = arith.constant 0 : i32
      %dma_wait3A_66 = arith.constant 0 : i32
      %dma_wait3A_67 = tpu.memref_slice %arg2[%dma_wait3A, %dma_wait3A_66] : memref<100000x128xf32, #tpu.memory_space<hbm>> -> memref<100000x128xf32, #tpu.memory_space<hbm>>
      tpu.wait_indirect_dma semaphore(%arg18 : memref<!tpu.dma_semaphore, #tpu.memory_space<semaphore_mem>>) src(%dma_wait3A_67 : memref<100000x128xf32, #tpu.memory_space<hbm>>) dst(%arg15 : memref<128x128xf32, #tpu.memory_space<vmem>>)
      "tpu.region"() ({
        %run_scoped3A = tpu.sem_alloc : memref<!tpu.dma_semaphore, #tpu.memory_space<semaphore_mem>>
        %dma_start3A_68 = arith.constant 0 : i32
        %dma_start3A_69 = tpu.memref_slice %arg7[%mul3A_2, %dma_start3A_68] : memref<4096x128xf32, #tpu.memory_space<hbm>> -> memref<128x128xf32, #tpu.memory_space<hbm>>
        %dma_start3A_70 = arith.constant 0 : i32
        %dma_start3A_71 = tpu.memref_slice %arg7[%mul3A_2, %dma_start3A_70] : memref<4096x128xf32, #tpu.memory_space<hbm>> -> memref<128x128xf32, #tpu.memory_space<hbm>>
        tpu.enqueue_dma source(%arg15 : memref<128x128xf32, #tpu.memory_space<vmem>>) target(%dma_start3A_71 : memref<128x128xf32, #tpu.memory_space<hbm>>) target_semaphore(%run_scoped3A : memref<!tpu.dma_semaphore, #tpu.memory_space<semaphore_mem>>)
        %dma_wait3A_72 = arith.constant 0 : i32
        %dma_wait3A_73 = tpu.memref_slice %arg7[%mul3A_2, %dma_wait3A_72] : memref<4096x128xf32, #tpu.memory_space<hbm>> -> memref<128x128xf32, #tpu.memory_space<hbm>>
        %dma_wait3A_74 = arith.constant 0 : i32
        %dma_wait3A_75 = tpu.memref_slice %arg7[%mul3A_2, %dma_wait3A_74] : memref<4096x128xf32, #tpu.memory_space<hbm>> -> memref<128x128xf32, #tpu.memory_space<hbm>>
        tpu.wait_dma2 semaphore(%run_scoped3A : memref<!tpu.dma_semaphore, #tpu.memory_space<semaphore_mem>>) src(%arg15 : memref<128x128xf32, #tpu.memory_space<vmem>>) dst(%dma_wait3A_75 : memref<128x128xf32, #tpu.memory_space<hbm>>)
        tpu.yield
      }) : () -> ()
    } else {
    }
    %eq3A_27 = arith.constant 0 : i32
    %eq3A_28 = arith.cmpi eq, %arg1, %eq3A_27 : i32
    %convert_element_type3A_29 = arith.extui %eq3A_28 : i1 to i32
    %cond3A_30 = arith.constant 0 : i32
    %cond3A_31 = arith.cmpi ne, %convert_element_type3A_29, %cond3A_30 : i32
    scf.if %cond3A_31 {
      "tpu.region"() ({
        %run_scoped3A = tpu.sem_alloc : memref<!tpu.dma_semaphore, #tpu.memory_space<semaphore_mem>>
        tpu.enqueue_dma source(%arg16 : memref<4096xi32, #tpu.memory_space<vmem_shared>>) target(%arg11 : memref<4096xi32, #tpu.memory_space<vmem>>) target_semaphore(%run_scoped3A : memref<!tpu.dma_semaphore, #tpu.memory_space<semaphore_mem>>)
        tpu.wait_dma2 semaphore(%run_scoped3A : memref<!tpu.dma_semaphore, #tpu.memory_space<semaphore_mem>>) src(%arg16 : memref<4096xi32, #tpu.memory_space<vmem_shared>>) dst(%arg11 : memref<4096xi32, #tpu.memory_space<vmem>>)
        tpu.yield
      }) : () -> ()
      %dma_wait3A = arith.constant 0 : i32
      %dma_wait3A_66 = arith.constant 0 : i32
      %dma_wait3A_67 = tpu.memref_slice %arg2[%dma_wait3A, %dma_wait3A_66] : memref<100000x128xf32, #tpu.memory_space<hbm>> -> memref<100000x128xf32, #tpu.memory_space<hbm>>
      tpu.wait_indirect_dma semaphore(%arg18 : memref<!tpu.dma_semaphore, #tpu.memory_space<semaphore_mem>>) src(%dma_wait3A_67 : memref<100000x128xf32, #tpu.memory_space<hbm>>) dst(%arg15 : memref<128x128xf32, #tpu.memory_space<vmem>>)
      %dma_start3A_68 = arith.constant 0 : i32
      %dma_start3A_69 = tpu.memref_slice %arg7[%mul3A_2, %dma_start3A_68] : memref<4096x128xf32, #tpu.memory_space<hbm>> -> memref<128x128xf32, #tpu.memory_space<hbm>>
      %dma_start3A_70 = arith.constant 0 : i32
      %dma_start3A_71 = tpu.memref_slice %arg7[%mul3A_2, %dma_start3A_70] : memref<4096x128xf32, #tpu.memory_space<hbm>> -> memref<128x128xf32, #tpu.memory_space<hbm>>
      tpu.enqueue_dma source(%arg15 : memref<128x128xf32, #tpu.memory_space<vmem>>) target(%dma_start3A_71 : memref<128x128xf32, #tpu.memory_space<hbm>>) target_semaphore(%arg21 : memref<!tpu.dma_semaphore, #tpu.memory_space<semaphore_mem>>)
      tpu.wait_dma2 semaphore(%arg19 : memref<!tpu.dma_semaphore, #tpu.memory_space<semaphore_mem>>) src(%arg6 : memref<100000xi32, #tpu.memory_space<hbm>>) dst(%arg8 : memref<100000xi32, #tpu.memory_space<vmem>>)
      %parallel_loop3A_72 = arith.constant 0 : i32
      %parallel_loop3A_73 = arith.constant 256 : i32
      %parallel_loop3A_74 = arith.constant 1 : i32
      scf.for %parallel_loop3A_82 = %parallel_loop3A_72 to %parallel_loop3A_73 step %parallel_loop3A_74  : i32 {
        %parallel_loop3A_83 = arith.constant 16 : i32
        %parallel_loop3A_84 = arith.muli %parallel_loop3A_82, %parallel_loop3A_83 : i32
        %parallel_loop3A_85 = arith.index_cast %parallel_loop3A_84 : i32 to index
        %parallel_loop3A_86 = tpu.vector_load %arg11[%parallel_loop3A_85] {strides = array<i32>} : memref<4096xi32, #tpu.memory_space<vmem>>, vector<16xi32>,
        %parallel_loop3A_87 = arith.constant 13 : i32
        %parallel_loop3A_88 = vector.broadcast %parallel_loop3A_87 : i32 to vector<16xi32>
        %parallel_loop3A_89 = arith.shrui %parallel_loop3A_86, %parallel_loop3A_88 : vector<16xi32>
        %parallel_loop3A_90 = arith.constant 8191 : i32
        %parallel_loop3A_91 = vector.broadcast %parallel_loop3A_90 : i32 to vector<16xi32>
        %parallel_loop3A_92 = arith.andi %parallel_loop3A_86, %parallel_loop3A_91 : vector<16xi32>
        %parallel_loop3A_93 = arith.constant 0 : i32
        %parallel_loop3A_94 = vector.broadcast %parallel_loop3A_93 : i32 to vector<16xi32>
        %parallel_loop3A_95 = arith.cmpi sge, %parallel_loop3A_86, %parallel_loop3A_94 : vector<16xi32>
        tpu.vector_store_idx %arg8[%parallel_loop3A_89], %parallel_loop3A_92 masked %parallel_loop3A_95 : memref<100000xi32, #tpu.memory_space<vmem>>[vector<16xi32>], vector<16xi32>, vector<16xi1>
      } {sc.loop_unroll_factor = 8 : i64, sc.parallel_access}
      %parallel_loop3A_75 = arith.constant 0 : i32
      %parallel_loop3A_76 = arith.constant 128 : i32
      %parallel_loop3A_77 = arith.constant 1 : i32
      scf.for %parallel_loop3A_82 = %parallel_loop3A_75 to %parallel_loop3A_76 step %parallel_loop3A_77  : i32 {
        %parallel_loop3A_83 = arith.constant 16 : i32
        %parallel_loop3A_84 = arith.muli %parallel_loop3A_82, %parallel_loop3A_83 : i32
        %parallel_loop3A_85 = arith.index_cast %parallel_loop3A_84 : i32 to index
        %parallel_loop3A_86 = tpu.vector_load %arg12[%parallel_loop3A_85] {strides = array<i32>} : memref<2048xi32, #tpu.memory_space<vmem>>, vector<16xi32>,
        %parallel_loop3A_87 = tpu.vector_load_idx %arg8[%parallel_loop3A_86] : memref<100000xi32, #tpu.memory_space<vmem>>[vector<16xi32>], vector<16xi32>,
        %parallel_loop3A_88 = arith.constant 16 : i32
        %parallel_loop3A_89 = arith.muli %parallel_loop3A_82, %parallel_loop3A_88 : i32
        %parallel_loop3A_90 = arith.index_cast %parallel_loop3A_89 : i32 to index
        %parallel_loop3A_91 = tpu.vector_load %arg13[%parallel_loop3A_90] {strides = array<i32>} : memref<2048xi32, #tpu.memory_space<vmem>>, vector<16xi32>,
        tpu.vector_store %arg13[%parallel_loop3A_90], %parallel_loop3A_87 {strides = array<i32>} : memref<2048xi32, #tpu.memory_space<vmem>>, vector<16xi32>,
      } {sc.loop_unroll_factor = 8 : i64, sc.parallel_access}
      "tpu.region"() ({
        %run_scoped3A = tpu.sem_alloc : memref<!tpu.dma_semaphore, #tpu.memory_space<semaphore_mem>>
        tpu.enqueue_dma source(%arg13 : memref<2048xi32, #tpu.memory_space<vmem>>) target(%arg17 : memref<2048xi32, #tpu.memory_space<vmem_shared>>) target_semaphore(%run_scoped3A : memref<!tpu.dma_semaphore, #tpu.memory_space<semaphore_mem>>)
        tpu.wait_dma2 semaphore(%run_scoped3A : memref<!tpu.dma_semaphore, #tpu.memory_space<semaphore_mem>>) src(%arg13 : memref<2048xi32, #tpu.memory_space<vmem>>) dst(%arg17 : memref<2048xi32, #tpu.memory_space<vmem_shared>>)
        tpu.yield
      }) : () -> ()
      %dma_wait3A_78 = arith.constant 0 : i32
      %dma_wait3A_79 = tpu.memref_slice %arg7[%mul3A_2, %dma_wait3A_78] : memref<4096x128xf32, #tpu.memory_space<hbm>> -> memref<128x128xf32, #tpu.memory_space<hbm>>
      %dma_wait3A_80 = arith.constant 0 : i32
      %dma_wait3A_81 = tpu.memref_slice %arg7[%mul3A_2, %dma_wait3A_80] : memref<4096x128xf32, #tpu.memory_space<hbm>> -> memref<128x128xf32, #tpu.memory_space<hbm>>
      tpu.wait_dma2 semaphore(%arg21 : memref<!tpu.dma_semaphore, #tpu.memory_space<semaphore_mem>>) src(%arg15 : memref<128x128xf32, #tpu.memory_space<vmem>>) dst(%dma_wait3A_81 : memref<128x128xf32, #tpu.memory_space<hbm>>)
    } else {
    }
    %barrier3A_32 = arith.constant 0 : index
    tpu.barrier barrier_id(%barrier3A_32)
    %mul3A_33 = arith.constant 128 : i32
    %mul3A_34 = arith.muli %arg1, %mul3A_33 : i32
    "tpu.region"() ({
      %run_scoped3A = tpu.sem_alloc : memref<!tpu.dma_semaphore, #tpu.memory_space<semaphore_mem>>
      %dma_start3A_66 = tpu.memref_slice %arg17[%mul3A_34] : memref<2048xi32, #tpu.memory_space<vmem_shared>> -> memref<128xi32, #tpu.memory_space<vmem_shared>>
      %dma_start3A_67 = tpu.memref_slice %arg17[%mul3A_34] : memref<2048xi32, #tpu.memory_space<vmem_shared>> -> memref<128xi32, #tpu.memory_space<vmem_shared>>
      tpu.enqueue_dma source(%dma_start3A_67 : memref<128xi32, #tpu.memory_space<vmem_shared>>) target(%arg14 : memref<128xi32, #tpu.memory_space<vmem>>) target_semaphore(%run_scoped3A : memref<!tpu.dma_semaphore, #tpu.memory_space<semaphore_mem>>)
      %dma_wait3A = tpu.memref_slice %arg17[%mul3A_34] : memref<2048xi32, #tpu.memory_space<vmem_shared>> -> memref<128xi32, #tpu.memory_space<vmem_shared>>
      %dma_wait3A_68 = tpu.memref_slice %arg17[%mul3A_34] : memref<2048xi32, #tpu.memory_space<vmem_shared>> -> memref<128xi32, #tpu.memory_space<vmem_shared>>
      tpu.wait_dma2 semaphore(%run_scoped3A : memref<!tpu.dma_semaphore, #tpu.memory_space<semaphore_mem>>) src(%dma_wait3A_68 : memref<128xi32, #tpu.memory_space<vmem_shared>>) dst(%arg14 : memref<128xi32, #tpu.memory_space<vmem>>)
      tpu.yield
    }) : () -> ()
    %scan3A = arith.constant 0 : i32
    %scan3A_35 = arith.constant 0 : i32
    %scan3A_36 = arith.constant 8 : i32
    %scan3A_37 = arith.addi %scan3A_35, %scan3A_36 : i32
    %scan3A_38 = arith.constant 1 : i32
    %scan3A_39 = scf.for %scan3A_66 = %scan3A_35 to %scan3A_37 step %scan3A_38 iter_args(%scan3A_67 = %scan3A) -> (i32)  : i32 {
      %mul3A_68 = arith.constant 16 : i32
      %mul3A_69 = arith.muli %scan3A_66, %mul3A_68 : i32
      %get3A = arith.index_cast %mul3A_69 : i32 to index
      %get3A_70 = tpu.vector_load %arg14[%get3A] {strides = array<i32>} : memref<128xi32, #tpu.memory_space<vmem>>, vector<16xi32>,
      %slice3A = vector.extract_strided_slice %get3A_70 {offsets = [0], sizes = [1], strides = [1]} : vector<16xi32> to vector<1xi32>
      %squeeze3A = vector.extract %slice3A[0] : i32 from vector<1xi32>
      %ge3A = arith.constant 0 : i32
      %ge3A_71 = arith.cmpi sge, %squeeze3A, %ge3A : i32
      %convert_element_type3A_72 = arith.extui %ge3A_71 : i1 to i32
      %cond3A_73 = arith.constant 0 : i32
      %cond3A_74 = arith.cmpi ne, %convert_element_type3A_72, %cond3A_73 : i32
      scf.if %cond3A_74 {
        %mul3A_186 = arith.constant 16 : i32
        %mul3A_187 = arith.muli %scan3A_66, %mul3A_186 : i32
        %add3A_188 = arith.constant 0 : i32
        %add3A_189 = arith.addi %mul3A_187, %add3A_188 : i32
        %dma_start3A_190 = arith.constant 0 : i32
        %dma_start3A_191 = tpu.memref_slice %arg15[%add3A_189, %dma_start3A_190] : memref<128x128xf32, #tpu.memory_space<vmem>> -> memref<1x128xf32, #tpu.memory_space<vmem>>
        %dma_start3A_192 = tpu.memref_squeeze %dma_start3A_191 : memref<1x128xf32, #tpu.memory_space<vmem>> -> memref<128xf32, #tpu.memory_space<vmem>>
        %dma_start3A_193 = arith.constant 0 : i32
        %dma_start3A_194 = tpu.memref_slice %arg4[%squeeze3A, %dma_start3A_193] : memref<4096x128xf32, #tpu.memory_space<hbm>> -> memref<1x128xf32, #tpu.memory_space<hbm>>
        %dma_start3A_195 = tpu.memref_squeeze %dma_start3A_194 : memref<1x128xf32, #tpu.memory_space<hbm>> -> memref<128xf32, #tpu.memory_space<hbm>>
        %dma_start3A_196 = arith.constant 0 : i32
        %dma_start3A_197 = tpu.memref_slice %arg15[%add3A_189, %dma_start3A_196] : memref<128x128xf32, #tpu.memory_space<vmem>> -> memref<1x128xf32, #tpu.memory_space<vmem>>
        %dma_start3A_198 = tpu.memref_squeeze %dma_start3A_197 : memref<1x128xf32, #tpu.memory_space<vmem>> -> memref<128xf32, #tpu.memory_space<vmem>>
        %dma_start3A_199 = arith.constant 0 : i32
        %dma_start3A_200 = tpu.memref_slice %arg4[%squeeze3A, %dma_start3A_199] : memref<4096x128xf32, #tpu.memory_space<hbm>> -> memref<1x128xf32, #tpu.memory_space<hbm>>
        %dma_start3A_201 = tpu.memref_squeeze %dma_start3A_200 : memref<1x128xf32, #tpu.memory_space<hbm>> -> memref<128xf32, #tpu.memory_space<hbm>>
        tpu.enqueue_dma source(%dma_start3A_201 : memref<128xf32, #tpu.memory_space<hbm>>) target(%dma_start3A_198 : memref<128xf32, #tpu.memory_space<vmem>>) target_semaphore(%arg20 : memref<!tpu.dma_semaphore, #tpu.memory_space<semaphore_mem>>)
      } else {
      }
      %slice3A_75 = vector.extract_strided_slice %get3A_70 {offsets = [1], sizes = [1], strides = [1]} : vector<16xi32> to vector<1xi32>
      %squeeze3A_76 = vector.extract %slice3A_75[0] : i32 from vector<1xi32>
      %ge3A_77 = arith.constant 0 : i32
      %ge3A_78 = arith.cmpi sge, %squeeze3A_76, %ge3A_77 : i32
      %convert_element_type3A_79 = arith.extui %ge3A_78 : i1 to i32
      %cond3A_80 = arith.constant 0 : i32
      %cond3A_81 = arith.cmpi ne, %convert_element_type3A_79, %cond3A_80 : i32
      scf.if %cond3A_81 {
        %mul3A_186 = arith.constant 16 : i32
        %mul3A_187 = arith.muli %scan3A_66, %mul3A_186 : i32
        %add3A_188 = arith.constant 1 : i32
        %add3A_189 = arith.addi %mul3A_187, %add3A_188 : i32
        %dma_start3A_190 = arith.constant 0 : i32
        %dma_start3A_191 = tpu.memref_slice %arg15[%add3A_189, %dma_start3A_190] : memref<128x128xf32, #tpu.memory_space<vmem>> -> memref<1x128xf32, #tpu.memory_space<vmem>>
        %dma_start3A_192 = tpu.memref_squeeze %dma_start3A_191 : memref<1x128xf32, #tpu.memory_space<vmem>> -> memref<128xf32, #tpu.memory_space<vmem>>
        %dma_start3A_193 = arith.constant 0 : i32
        %dma_start3A_194 = tpu.memref_slice %arg4[%squeeze3A_76, %dma_start3A_193] : memref<4096x128xf32, #tpu.memory_space<hbm>> -> memref<1x128xf32, #tpu.memory_space<hbm>>
        %dma_start3A_195 = tpu.memref_squeeze %dma_start3A_194 : memref<1x128xf32, #tpu.memory_space<hbm>> -> memref<128xf32, #tpu.memory_space<hbm>>
        %dma_start3A_196 = arith.constant 0 : i32
        %dma_start3A_197 = tpu.memref_slice %arg15[%add3A_189, %dma_start3A_196] : memref<128x128xf32, #tpu.memory_space<vmem>> -> memref<1x128xf32, #tpu.memory_space<vmem>>
        %dma_start3A_198 = tpu.memref_squeeze %dma_start3A_197 : memref<1x128xf32, #tpu.memory_space<vmem>> -> memref<128xf32, #tpu.memory_space<vmem>>
        %dma_start3A_199 = arith.constant 0 : i32
        %dma_start3A_200 = tpu.memref_slice %arg4[%squeeze3A_76, %dma_start3A_199] : memref<4096x128xf32, #tpu.memory_space<hbm>> -> memref<1x128xf32, #tpu.memory_space<hbm>>
        %dma_start3A_201 = tpu.memref_squeeze %dma_start3A_200 : memref<1x128xf32, #tpu.memory_space<hbm>> -> memref<128xf32, #tpu.memory_space<hbm>>
        tpu.enqueue_dma source(%dma_start3A_201 : memref<128xf32, #tpu.memory_space<hbm>>) target(%dma_start3A_198 : memref<128xf32, #tpu.memory_space<vmem>>) target_semaphore(%arg20 : memref<!tpu.dma_semaphore, #tpu.memory_space<semaphore_mem>>)
      } else {
      }
      %slice3A_82 = vector.extract_strided_slice %get3A_70 {offsets = [2], sizes = [1], strides = [1]} : vector<16xi32> to vector<1xi32>
      %squeeze3A_83 = vector.extract %slice3A_82[0] : i32 from vector<1xi32>
      %ge3A_84 = arith.constant 0 : i32
      %ge3A_85 = arith.cmpi sge, %squeeze3A_83, %ge3A_84 : i32
      %convert_element_type3A_86 = arith.extui %ge3A_85 : i1 to i32
      %cond3A_87 = arith.constant 0 : i32
      %cond3A_88 = arith.cmpi ne, %convert_element_type3A_86, %cond3A_87 : i32
      scf.if %cond3A_88 {
        %mul3A_186 = arith.constant 16 : i32
        %mul3A_187 = arith.muli %scan3A_66, %mul3A_186 : i32
        %add3A_188 = arith.constant 2 : i32
        %add3A_189 = arith.addi %mul3A_187, %add3A_188 : i32
        %dma_start3A_190 = arith.constant 0 : i32
        %dma_start3A_191 = tpu.memref_slice %arg15[%add3A_189, %dma_start3A_190] : memref<128x128xf32, #tpu.memory_space<vmem>> -> memref<1x128xf32, #tpu.memory_space<vmem>>
        %dma_start3A_192 = tpu.memref_squeeze %dma_start3A_191 : memref<1x128xf32, #tpu.memory_space<vmem>> -> memref<128xf32, #tpu.memory_space<vmem>>
        %dma_start3A_193 = arith.constant 0 : i32
        %dma_start3A_194 = tpu.memref_slice %arg4[%squeeze3A_83, %dma_start3A_193] : memref<4096x128xf32, #tpu.memory_space<hbm>> -> memref<1x128xf32, #tpu.memory_space<hbm>>
        %dma_start3A_195 = tpu.memref_squeeze %dma_start3A_194 : memref<1x128xf32, #tpu.memory_space<hbm>> -> memref<128xf32, #tpu.memory_space<hbm>>
        %dma_start3A_196 = arith.constant 0 : i32
        %dma_start3A_197 = tpu.memref_slice %arg15[%add3A_189, %dma_start3A_196] : memref<128x128xf32, #tpu.memory_space<vmem>> -> memref<1x128xf32, #tpu.memory_space<vmem>>
        %dma_start3A_198 = tpu.memref_squeeze %dma_start3A_197 : memref<1x128xf32, #tpu.memory_space<vmem>> -> memref<128xf32, #tpu.memory_space<vmem>>
        %dma_start3A_199 = arith.constant 0 : i32
        %dma_start3A_200 = tpu.memref_slice %arg4[%squeeze3A_83, %dma_start3A_199] : memref<4096x128xf32, #tpu.memory_space<hbm>> -> memref<1x128xf32, #tpu.memory_space<hbm>>
        %dma_start3A_201 = tpu.memref_squeeze %dma_start3A_200 : memref<1x128xf32, #tpu.memory_space<hbm>> -> memref<128xf32, #tpu.memory_space<hbm>>
        tpu.enqueue_dma source(%dma_start3A_201 : memref<128xf32, #tpu.memory_space<hbm>>) target(%dma_start3A_198 : memref<128xf32, #tpu.memory_space<vmem>>) target_semaphore(%arg20 : memref<!tpu.dma_semaphore, #tpu.memory_space<semaphore_mem>>)
      } else {
      }
      %slice3A_89 = vector.extract_strided_slice %get3A_70 {offsets = [3], sizes = [1], strides = [1]} : vector<16xi32> to vector<1xi32>
      %squeeze3A_90 = vector.extract %slice3A_89[0] : i32 from vector<1xi32>
      %ge3A_91 = arith.constant 0 : i32
      %ge3A_92 = arith.cmpi sge, %squeeze3A_90, %ge3A_91 : i32
      %convert_element_type3A_93 = arith.extui %ge3A_92 : i1 to i32
      %cond3A_94 = arith.constant 0 : i32
      %cond3A_95 = arith.cmpi ne, %convert_element_type3A_93, %cond3A_94 : i32
      scf.if %cond3A_95 {
        %mul3A_186 = arith.constant 16 : i32
        %mul3A_187 = arith.muli %scan3A_66, %mul3A_186 : i32
        %add3A_188 = arith.constant 3 : i32
        %add3A_189 = arith.addi %mul3A_187, %add3A_188 : i32
        %dma_start3A_190 = arith.constant 0 : i32
        %dma_start3A_191 = tpu.memref_slice %arg15[%add3A_189, %dma_start3A_190] : memref<128x128xf32, #tpu.memory_space<vmem>> -> memref<1x128xf32, #tpu.memory_space<vmem>>
        %dma_start3A_192 = tpu.memref_squeeze %dma_start3A_191 : memref<1x128xf32, #tpu.memory_space<vmem>> -> memref<128xf32, #tpu.memory_space<vmem>>
        %dma_start3A_193 = arith.constant 0 : i32
        %dma_start3A_194 = tpu.memref_slice %arg4[%squeeze3A_90, %dma_start3A_193] : memref<4096x128xf32, #tpu.memory_space<hbm>> -> memref<1x128xf32, #tpu.memory_space<hbm>>
        %dma_start3A_195 = tpu.memref_squeeze %dma_start3A_194 : memref<1x128xf32, #tpu.memory_space<hbm>> -> memref<128xf32, #tpu.memory_space<hbm>>
        %dma_start3A_196 = arith.constant 0 : i32
        %dma_start3A_197 = tpu.memref_slice %arg15[%add3A_189, %dma_start3A_196] : memref<128x128xf32, #tpu.memory_space<vmem>> -> memref<1x128xf32, #tpu.memory_space<vmem>>
        %dma_start3A_198 = tpu.memref_squeeze %dma_start3A_197 : memref<1x128xf32, #tpu.memory_space<vmem>> -> memref<128xf32, #tpu.memory_space<vmem>>
        %dma_start3A_199 = arith.constant 0 : i32
        %dma_start3A_200 = tpu.memref_slice %arg4[%squeeze3A_90, %dma_start3A_199] : memref<4096x128xf32, #tpu.memory_space<hbm>> -> memref<1x128xf32, #tpu.memory_space<hbm>>
        %dma_start3A_201 = tpu.memref_squeeze %dma_start3A_200 : memref<1x128xf32, #tpu.memory_space<hbm>> -> memref<128xf32, #tpu.memory_space<hbm>>
        tpu.enqueue_dma source(%dma_start3A_201 : memref<128xf32, #tpu.memory_space<hbm>>) target(%dma_start3A_198 : memref<128xf32, #tpu.memory_space<vmem>>) target_semaphore(%arg20 : memref<!tpu.dma_semaphore, #tpu.memory_space<semaphore_mem>>)
      } else {
      }
      %slice3A_96 = vector.extract_strided_slice %get3A_70 {offsets = [4], sizes = [1], strides = [1]} : vector<16xi32> to vector<1xi32>
      %squeeze3A_97 = vector.extract %slice3A_96[0] : i32 from vector<1xi32>
      %ge3A_98 = arith.constant 0 : i32
      %ge3A_99 = arith.cmpi sge, %squeeze3A_97, %ge3A_98 : i32
      %convert_element_type3A_100 = arith.extui %ge3A_99 : i1 to i32
      %cond3A_101 = arith.constant 0 : i32
      %cond3A_102 = arith.cmpi ne, %convert_element_type3A_100, %cond3A_101 : i32
      scf.if %cond3A_102 {
        %mul3A_186 = arith.constant 16 : i32
        %mul3A_187 = arith.muli %scan3A_66, %mul3A_186 : i32
        %add3A_188 = arith.constant 4 : i32
        %add3A_189 = arith.addi %mul3A_187, %add3A_188 : i32
        %dma_start3A_190 = arith.constant 0 : i32
        %dma_start3A_191 = tpu.memref_slice %arg15[%add3A_189, %dma_start3A_190] : memref<128x128xf32, #tpu.memory_space<vmem>> -> memref<1x128xf32, #tpu.memory_space<vmem>>
        %dma_start3A_192 = tpu.memref_squeeze %dma_start3A_191 : memref<1x128xf32, #tpu.memory_space<vmem>> -> memref<128xf32, #tpu.memory_space<vmem>>
        %dma_start3A_193 = arith.constant 0 : i32
        %dma_start3A_194 = tpu.memref_slice %arg4[%squeeze3A_97, %dma_start3A_193] : memref<4096x128xf32, #tpu.memory_space<hbm>> -> memref<1x128xf32, #tpu.memory_space<hbm>>
        %dma_start3A_195 = tpu.memref_squeeze %dma_start3A_194 : memref<1x128xf32, #tpu.memory_space<hbm>> -> memref<128xf32, #tpu.memory_space<hbm>>
        %dma_start3A_196 = arith.constant 0 : i32
        %dma_start3A_197 = tpu.memref_slice %arg15[%add3A_189, %dma_start3A_196] : memref<128x128xf32, #tpu.memory_space<vmem>> -> memref<1x128xf32, #tpu.memory_space<vmem>>
        %dma_start3A_198 = tpu.memref_squeeze %dma_start3A_197 : memref<1x128xf32, #tpu.memory_space<vmem>> -> memref<128xf32, #tpu.memory_space<vmem>>
        %dma_start3A_199 = arith.constant 0 : i32
        %dma_start3A_200 = tpu.memref_slice %arg4[%squeeze3A_97, %dma_start3A_199] : memref<4096x128xf32, #tpu.memory_space<hbm>> -> memref<1x128xf32, #tpu.memory_space<hbm>>
        %dma_start3A_201 = tpu.memref_squeeze %dma_start3A_200 : memref<1x128xf32, #tpu.memory_space<hbm>> -> memref<128xf32, #tpu.memory_space<hbm>>
        tpu.enqueue_dma source(%dma_start3A_201 : memref<128xf32, #tpu.memory_space<hbm>>) target(%dma_start3A_198 : memref<128xf32, #tpu.memory_space<vmem>>) target_semaphore(%arg20 : memref<!tpu.dma_semaphore, #tpu.memory_space<semaphore_mem>>)
      } else {
      }
      %slice3A_103 = vector.extract_strided_slice %get3A_70 {offsets = [5], sizes = [1], strides = [1]} : vector<16xi32> to vector<1xi32>
      %squeeze3A_104 = vector.extract %slice3A_103[0] : i32 from vector<1xi32>
      %ge3A_105 = arith.constant 0 : i32
      %ge3A_106 = arith.cmpi sge, %squeeze3A_104, %ge3A_105 : i32
      %convert_element_type3A_107 = arith.extui %ge3A_106 : i1 to i32
      %cond3A_108 = arith.constant 0 : i32
      %cond3A_109 = arith.cmpi ne, %convert_element_type3A_107, %cond3A_108 : i32
      scf.if %cond3A_109 {
        %mul3A_186 = arith.constant 16 : i32
        %mul3A_187 = arith.muli %scan3A_66, %mul3A_186 : i32
        %add3A_188 = arith.constant 5 : i32
        %add3A_189 = arith.addi %mul3A_187, %add3A_188 : i32
        %dma_start3A_190 = arith.constant 0 : i32
        %dma_start3A_191 = tpu.memref_slice %arg15[%add3A_189, %dma_start3A_190] : memref<128x128xf32, #tpu.memory_space<vmem>> -> memref<1x128xf32, #tpu.memory_space<vmem>>
        %dma_start3A_192 = tpu.memref_squeeze %dma_start3A_191 : memref<1x128xf32, #tpu.memory_space<vmem>> -> memref<128xf32, #tpu.memory_space<vmem>>
        %dma_start3A_193 = arith.constant 0 : i32
        %dma_start3A_194 = tpu.memref_slice %arg4[%squeeze3A_104, %dma_start3A_193] : memref<4096x128xf32, #tpu.memory_space<hbm>> -> memref<1x128xf32, #tpu.memory_space<hbm>>
        %dma_start3A_195 = tpu.memref_squeeze %dma_start3A_194 : memref<1x128xf32, #tpu.memory_space<hbm>> -> memref<128xf32, #tpu.memory_space<hbm>>
        %dma_start3A_196 = arith.constant 0 : i32
        %dma_start3A_197 = tpu.memref_slice %arg15[%add3A_189, %dma_start3A_196] : memref<128x128xf32, #tpu.memory_space<vmem>> -> memref<1x128xf32, #tpu.memory_space<vmem>>
        %dma_start3A_198 = tpu.memref_squeeze %dma_start3A_197 : memref<1x128xf32, #tpu.memory_space<vmem>> -> memref<128xf32, #tpu.memory_space<vmem>>
        %dma_start3A_199 = arith.constant 0 : i32
        %dma_start3A_200 = tpu.memref_slice %arg4[%squeeze3A_104, %dma_start3A_199] : memref<4096x128xf32, #tpu.memory_space<hbm>> -> memref<1x128xf32, #tpu.memory_space<hbm>>
        %dma_start3A_201 = tpu.memref_squeeze %dma_start3A_200 : memref<1x128xf32, #tpu.memory_space<hbm>> -> memref<128xf32, #tpu.memory_space<hbm>>
        tpu.enqueue_dma source(%dma_start3A_201 : memref<128xf32, #tpu.memory_space<hbm>>) target(%dma_start3A_198 : memref<128xf32, #tpu.memory_space<vmem>>) target_semaphore(%arg20 : memref<!tpu.dma_semaphore, #tpu.memory_space<semaphore_mem>>)
      } else {
      }
      %slice3A_110 = vector.extract_strided_slice %get3A_70 {offsets = [6], sizes = [1], strides = [1]} : vector<16xi32> to vector<1xi32>
      %squeeze3A_111 = vector.extract %slice3A_110[0] : i32 from vector<1xi32>
      %ge3A_112 = arith.constant 0 : i32
      %ge3A_113 = arith.cmpi sge, %squeeze3A_111, %ge3A_112 : i32
      %convert_element_type3A_114 = arith.extui %ge3A_113 : i1 to i32
      %cond3A_115 = arith.constant 0 : i32
      %cond3A_116 = arith.cmpi ne, %convert_element_type3A_114, %cond3A_115 : i32
      scf.if %cond3A_116 {
        %mul3A_186 = arith.constant 16 : i32
        %mul3A_187 = arith.muli %scan3A_66, %mul3A_186 : i32
        %add3A_188 = arith.constant 6 : i32
        %add3A_189 = arith.addi %mul3A_187, %add3A_188 : i32
        %dma_start3A_190 = arith.constant 0 : i32
        %dma_start3A_191 = tpu.memref_slice %arg15[%add3A_189, %dma_start3A_190] : memref<128x128xf32, #tpu.memory_space<vmem>> -> memref<1x128xf32, #tpu.memory_space<vmem>>
        %dma_start3A_192 = tpu.memref_squeeze %dma_start3A_191 : memref<1x128xf32, #tpu.memory_space<vmem>> -> memref<128xf32, #tpu.memory_space<vmem>>
        %dma_start3A_193 = arith.constant 0 : i32
        %dma_start3A_194 = tpu.memref_slice %arg4[%squeeze3A_111, %dma_start3A_193] : memref<4096x128xf32, #tpu.memory_space<hbm>> -> memref<1x128xf32, #tpu.memory_space<hbm>>
        %dma_start3A_195 = tpu.memref_squeeze %dma_start3A_194 : memref<1x128xf32, #tpu.memory_space<hbm>> -> memref<128xf32, #tpu.memory_space<hbm>>
        %dma_start3A_196 = arith.constant 0 : i32
        %dma_start3A_197 = tpu.memref_slice %arg15[%add3A_189, %dma_start3A_196] : memref<128x128xf32, #tpu.memory_space<vmem>> -> memref<1x128xf32, #tpu.memory_space<vmem>>
        %dma_start3A_198 = tpu.memref_squeeze %dma_start3A_197 : memref<1x128xf32, #tpu.memory_space<vmem>> -> memref<128xf32, #tpu.memory_space<vmem>>
        %dma_start3A_199 = arith.constant 0 : i32
        %dma_start3A_200 = tpu.memref_slice %arg4[%squeeze3A_111, %dma_start3A_199] : memref<4096x128xf32, #tpu.memory_space<hbm>> -> memref<1x128xf32, #tpu.memory_space<hbm>>
        %dma_start3A_201 = tpu.memref_squeeze %dma_start3A_200 : memref<1x128xf32, #tpu.memory_space<hbm>> -> memref<128xf32, #tpu.memory_space<hbm>>
        tpu.enqueue_dma source(%dma_start3A_201 : memref<128xf32, #tpu.memory_space<hbm>>) target(%dma_start3A_198 : memref<128xf32, #tpu.memory_space<vmem>>) target_semaphore(%arg20 : memref<!tpu.dma_semaphore, #tpu.memory_space<semaphore_mem>>)
      } else {
      }
      %slice3A_117 = vector.extract_strided_slice %get3A_70 {offsets = [7], sizes = [1], strides = [1]} : vector<16xi32> to vector<1xi32>
      %squeeze3A_118 = vector.extract %slice3A_117[0] : i32 from vector<1xi32>
      %ge3A_119 = arith.constant 0 : i32
      %ge3A_120 = arith.cmpi sge, %squeeze3A_118, %ge3A_119 : i32
      %convert_element_type3A_121 = arith.extui %ge3A_120 : i1 to i32
      %cond3A_122 = arith.constant 0 : i32
      %cond3A_123 = arith.cmpi ne, %convert_element_type3A_121, %cond3A_122 : i32
      scf.if %cond3A_123 {
        %mul3A_186 = arith.constant 16 : i32
        %mul3A_187 = arith.muli %scan3A_66, %mul3A_186 : i32
        %add3A_188 = arith.constant 7 : i32
        %add3A_189 = arith.addi %mul3A_187, %add3A_188 : i32
        %dma_start3A_190 = arith.constant 0 : i32
        %dma_start3A_191 = tpu.memref_slice %arg15[%add3A_189, %dma_start3A_190] : memref<128x128xf32, #tpu.memory_space<vmem>> -> memref<1x128xf32, #tpu.memory_space<vmem>>
        %dma_start3A_192 = tpu.memref_squeeze %dma_start3A_191 : memref<1x128xf32, #tpu.memory_space<vmem>> -> memref<128xf32, #tpu.memory_space<vmem>>
        %dma_start3A_193 = arith.constant 0 : i32
        %dma_start3A_194 = tpu.memref_slice %arg4[%squeeze3A_118, %dma_start3A_193] : memref<4096x128xf32, #tpu.memory_space<hbm>> -> memref<1x128xf32, #tpu.memory_space<hbm>>
        %dma_start3A_195 = tpu.memref_squeeze %dma_start3A_194 : memref<1x128xf32, #tpu.memory_space<hbm>> -> memref<128xf32, #tpu.memory_space<hbm>>
        %dma_start3A_196 = arith.constant 0 : i32
        %dma_start3A_197 = tpu.memref_slice %arg15[%add3A_189, %dma_start3A_196] : memref<128x128xf32, #tpu.memory_space<vmem>> -> memref<1x128xf32, #tpu.memory_space<vmem>>
        %dma_start3A_198 = tpu.memref_squeeze %dma_start3A_197 : memref<1x128xf32, #tpu.memory_space<vmem>> -> memref<128xf32, #tpu.memory_space<vmem>>
        %dma_start3A_199 = arith.constant 0 : i32
        %dma_start3A_200 = tpu.memref_slice %arg4[%squeeze3A_118, %dma_start3A_199] : memref<4096x128xf32, #tpu.memory_space<hbm>> -> memref<1x128xf32, #tpu.memory_space<hbm>>
        %dma_start3A_201 = tpu.memref_squeeze %dma_start3A_200 : memref<1x128xf32, #tpu.memory_space<hbm>> -> memref<128xf32, #tpu.memory_space<hbm>>
        tpu.enqueue_dma source(%dma_start3A_201 : memref<128xf32, #tpu.memory_space<hbm>>) target(%dma_start3A_198 : memref<128xf32, #tpu.memory_space<vmem>>) target_semaphore(%arg20 : memref<!tpu.dma_semaphore, #tpu.memory_space<semaphore_mem>>)
      } else {
      }
      %slice3A_124 = vector.extract_strided_slice %get3A_70 {offsets = [8], sizes = [1], strides = [1]} : vector<16xi32> to vector<1xi32>
      %squeeze3A_125 = vector.extract %slice3A_124[0] : i32 from vector<1xi32>
      %ge3A_126 = arith.constant 0 : i32
      %ge3A_127 = arith.cmpi sge, %squeeze3A_125, %ge3A_126 : i32
      %convert_element_type3A_128 = arith.extui %ge3A_127 : i1 to i32
      %cond3A_129 = arith.constant 0 : i32
      %cond3A_130 = arith.cmpi ne, %convert_element_type3A_128, %cond3A_129 : i32
      scf.if %cond3A_130 {
        %mul3A_186 = arith.constant 16 : i32
        %mul3A_187 = arith.muli %scan3A_66, %mul3A_186 : i32
        %add3A_188 = arith.constant 8 : i32
        %add3A_189 = arith.addi %mul3A_187, %add3A_188 : i32
        %dma_start3A_190 = arith.constant 0 : i32
        %dma_start3A_191 = tpu.memref_slice %arg15[%add3A_189, %dma_start3A_190] : memref<128x128xf32, #tpu.memory_space<vmem>> -> memref<1x128xf32, #tpu.memory_space<vmem>>
        %dma_start3A_192 = tpu.memref_squeeze %dma_start3A_191 : memref<1x128xf32, #tpu.memory_space<vmem>> -> memref<128xf32, #tpu.memory_space<vmem>>
        %dma_start3A_193 = arith.constant 0 : i32
        %dma_start3A_194 = tpu.memref_slice %arg4[%squeeze3A_125, %dma_start3A_193] : memref<4096x128xf32, #tpu.memory_space<hbm>> -> memref<1x128xf32, #tpu.memory_space<hbm>>
        %dma_start3A_195 = tpu.memref_squeeze %dma_start3A_194 : memref<1x128xf32, #tpu.memory_space<hbm>> -> memref<128xf32, #tpu.memory_space<hbm>>
        %dma_start3A_196 = arith.constant 0 : i32
        %dma_start3A_197 = tpu.memref_slice %arg15[%add3A_189, %dma_start3A_196] : memref<128x128xf32, #tpu.memory_space<vmem>> -> memref<1x128xf32, #tpu.memory_space<vmem>>
        %dma_start3A_198 = tpu.memref_squeeze %dma_start3A_197 : memref<1x128xf32, #tpu.memory_space<vmem>> -> memref<128xf32, #tpu.memory_space<vmem>>
        %dma_start3A_199 = arith.constant 0 : i32
        %dma_start3A_200 = tpu.memref_slice %arg4[%squeeze3A_125, %dma_start3A_199] : memref<4096x128xf32, #tpu.memory_space<hbm>> -> memref<1x128xf32, #tpu.memory_space<hbm>>
        %dma_start3A_201 = tpu.memref_squeeze %dma_start3A_200 : memref<1x128xf32, #tpu.memory_space<hbm>> -> memref<128xf32, #tpu.memory_space<hbm>>
        tpu.enqueue_dma source(%dma_start3A_201 : memref<128xf32, #tpu.memory_space<hbm>>) target(%dma_start3A_198 : memref<128xf32, #tpu.memory_space<vmem>>) target_semaphore(%arg20 : memref<!tpu.dma_semaphore, #tpu.memory_space<semaphore_mem>>)
      } else {
      }
      %slice3A_131 = vector.extract_strided_slice %get3A_70 {offsets = [9], sizes = [1], strides = [1]} : vector<16xi32> to vector<1xi32>
      %squeeze3A_132 = vector.extract %slice3A_131[0] : i32 from vector<1xi32>
      %ge3A_133 = arith.constant 0 : i32
      %ge3A_134 = arith.cmpi sge, %squeeze3A_132, %ge3A_133 : i32
      %convert_element_type3A_135 = arith.extui %ge3A_134 : i1 to i32
      %cond3A_136 = arith.constant 0 : i32
      %cond3A_137 = arith.cmpi ne, %convert_element_type3A_135, %cond3A_136 : i32
      scf.if %cond3A_137 {
        %mul3A_186 = arith.constant 16 : i32
        %mul3A_187 = arith.muli %scan3A_66, %mul3A_186 : i32
        %add3A_188 = arith.constant 9 : i32
        %add3A_189 = arith.addi %mul3A_187, %add3A_188 : i32
        %dma_start3A_190 = arith.constant 0 : i32
        %dma_start3A_191 = tpu.memref_slice %arg15[%add3A_189, %dma_start3A_190] : memref<128x128xf32, #tpu.memory_space<vmem>> -> memref<1x128xf32, #tpu.memory_space<vmem>>
        %dma_start3A_192 = tpu.memref_squeeze %dma_start3A_191 : memref<1x128xf32, #tpu.memory_space<vmem>> -> memref<128xf32, #tpu.memory_space<vmem>>
        %dma_start3A_193 = arith.constant 0 : i32
        %dma_start3A_194 = tpu.memref_slice %arg4[%squeeze3A_132, %dma_start3A_193] : memref<4096x128xf32, #tpu.memory_space<hbm>> -> memref<1x128xf32, #tpu.memory_space<hbm>>
        %dma_start3A_195 = tpu.memref_squeeze %dma_start3A_194 : memref<1x128xf32, #tpu.memory_space<hbm>> -> memref<128xf32, #tpu.memory_space<hbm>>
        %dma_start3A_196 = arith.constant 0 : i32
        %dma_start3A_197 = tpu.memref_slice %arg15[%add3A_189, %dma_start3A_196] : memref<128x128xf32, #tpu.memory_space<vmem>> -> memref<1x128xf32, #tpu.memory_space<vmem>>
        %dma_start3A_198 = tpu.memref_squeeze %dma_start3A_197 : memref<1x128xf32, #tpu.memory_space<vmem>> -> memref<128xf32, #tpu.memory_space<vmem>>
        %dma_start3A_199 = arith.constant 0 : i32
        %dma_start3A_200 = tpu.memref_slice %arg4[%squeeze3A_132, %dma_start3A_199] : memref<4096x128xf32, #tpu.memory_space<hbm>> -> memref<1x128xf32, #tpu.memory_space<hbm>>
        %dma_start3A_201 = tpu.memref_squeeze %dma_start3A_200 : memref<1x128xf32, #tpu.memory_space<hbm>> -> memref<128xf32, #tpu.memory_space<hbm>>
        tpu.enqueue_dma source(%dma_start3A_201 : memref<128xf32, #tpu.memory_space<hbm>>) target(%dma_start3A_198 : memref<128xf32, #tpu.memory_space<vmem>>) target_semaphore(%arg20 : memref<!tpu.dma_semaphore, #tpu.memory_space<semaphore_mem>>)
      } else {
      }
      %slice3A_138 = vector.extract_strided_slice %get3A_70 {offsets = [10], sizes = [1], strides = [1]} : vector<16xi32> to vector<1xi32>
      %squeeze3A_139 = vector.extract %slice3A_138[0] : i32 from vector<1xi32>
      %ge3A_140 = arith.constant 0 : i32
      %ge3A_141 = arith.cmpi sge, %squeeze3A_139, %ge3A_140 : i32
      %convert_element_type3A_142 = arith.extui %ge3A_141 : i1 to i32
      %cond3A_143 = arith.constant 0 : i32
      %cond3A_144 = arith.cmpi ne, %convert_element_type3A_142, %cond3A_143 : i32
      scf.if %cond3A_144 {
        %mul3A_186 = arith.constant 16 : i32
        %mul3A_187 = arith.muli %scan3A_66, %mul3A_186 : i32
        %add3A_188 = arith.constant 10 : i32
        %add3A_189 = arith.addi %mul3A_187, %add3A_188 : i32
        %dma_start3A_190 = arith.constant 0 : i32
        %dma_start3A_191 = tpu.memref_slice %arg15[%add3A_189, %dma_start3A_190] : memref<128x128xf32, #tpu.memory_space<vmem>> -> memref<1x128xf32, #tpu.memory_space<vmem>>
        %dma_start3A_192 = tpu.memref_squeeze %dma_start3A_191 : memref<1x128xf32, #tpu.memory_space<vmem>> -> memref<128xf32, #tpu.memory_space<vmem>>
        %dma_start3A_193 = arith.constant 0 : i32
        %dma_start3A_194 = tpu.memref_slice %arg4[%squeeze3A_139, %dma_start3A_193] : memref<4096x128xf32, #tpu.memory_space<hbm>> -> memref<1x128xf32, #tpu.memory_space<hbm>>
        %dma_start3A_195 = tpu.memref_squeeze %dma_start3A_194 : memref<1x128xf32, #tpu.memory_space<hbm>> -> memref<128xf32, #tpu.memory_space<hbm>>
        %dma_start3A_196 = arith.constant 0 : i32
        %dma_start3A_197 = tpu.memref_slice %arg15[%add3A_189, %dma_start3A_196] : memref<128x128xf32, #tpu.memory_space<vmem>> -> memref<1x128xf32, #tpu.memory_space<vmem>>
        %dma_start3A_198 = tpu.memref_squeeze %dma_start3A_197 : memref<1x128xf32, #tpu.memory_space<vmem>> -> memref<128xf32, #tpu.memory_space<vmem>>
        %dma_start3A_199 = arith.constant 0 : i32
        %dma_start3A_200 = tpu.memref_slice %arg4[%squeeze3A_139, %dma_start3A_199] : memref<4096x128xf32, #tpu.memory_space<hbm>> -> memref<1x128xf32, #tpu.memory_space<hbm>>
        %dma_start3A_201 = tpu.memref_squeeze %dma_start3A_200 : memref<1x128xf32, #tpu.memory_space<hbm>> -> memref<128xf32, #tpu.memory_space<hbm>>
        tpu.enqueue_dma source(%dma_start3A_201 : memref<128xf32, #tpu.memory_space<hbm>>) target(%dma_start3A_198 : memref<128xf32, #tpu.memory_space<vmem>>) target_semaphore(%arg20 : memref<!tpu.dma_semaphore, #tpu.memory_space<semaphore_mem>>)
      } else {
      }
      %slice3A_145 = vector.extract_strided_slice %get3A_70 {offsets = [11], sizes = [1], strides = [1]} : vector<16xi32> to vector<1xi32>
      %squeeze3A_146 = vector.extract %slice3A_145[0] : i32 from vector<1xi32>
      %ge3A_147 = arith.constant 0 : i32
      %ge3A_148 = arith.cmpi sge, %squeeze3A_146, %ge3A_147 : i32
      %convert_element_type3A_149 = arith.extui %ge3A_148 : i1 to i32
      %cond3A_150 = arith.constant 0 : i32
      %cond3A_151 = arith.cmpi ne, %convert_element_type3A_149, %cond3A_150 : i32
      scf.if %cond3A_151 {
        %mul3A_186 = arith.constant 16 : i32
        %mul3A_187 = arith.muli %scan3A_66, %mul3A_186 : i32
        %add3A_188 = arith.constant 11 : i32
        %add3A_189 = arith.addi %mul3A_187, %add3A_188 : i32
        %dma_start3A_190 = arith.constant 0 : i32
        %dma_start3A_191 = tpu.memref_slice %arg15[%add3A_189, %dma_start3A_190] : memref<128x128xf32, #tpu.memory_space<vmem>> -> memref<1x128xf32, #tpu.memory_space<vmem>>
        %dma_start3A_192 = tpu.memref_squeeze %dma_start3A_191 : memref<1x128xf32, #tpu.memory_space<vmem>> -> memref<128xf32, #tpu.memory_space<vmem>>
        %dma_start3A_193 = arith.constant 0 : i32
        %dma_start3A_194 = tpu.memref_slice %arg4[%squeeze3A_146, %dma_start3A_193] : memref<4096x128xf32, #tpu.memory_space<hbm>> -> memref<1x128xf32, #tpu.memory_space<hbm>>
        %dma_start3A_195 = tpu.memref_squeeze %dma_start3A_194 : memref<1x128xf32, #tpu.memory_space<hbm>> -> memref<128xf32, #tpu.memory_space<hbm>>
        %dma_start3A_196 = arith.constant 0 : i32
        %dma_start3A_197 = tpu.memref_slice %arg15[%add3A_189, %dma_start3A_196] : memref<128x128xf32, #tpu.memory_space<vmem>> -> memref<1x128xf32, #tpu.memory_space<vmem>>
        %dma_start3A_198 = tpu.memref_squeeze %dma_start3A_197 : memref<1x128xf32, #tpu.memory_space<vmem>> -> memref<128xf32, #tpu.memory_space<vmem>>
        %dma_start3A_199 = arith.constant 0 : i32
        %dma_start3A_200 = tpu.memref_slice %arg4[%squeeze3A_146, %dma_start3A_199] : memref<4096x128xf32, #tpu.memory_space<hbm>> -> memref<1x128xf32, #tpu.memory_space<hbm>>
        %dma_start3A_201 = tpu.memref_squeeze %dma_start3A_200 : memref<1x128xf32, #tpu.memory_space<hbm>> -> memref<128xf32, #tpu.memory_space<hbm>>
        tpu.enqueue_dma source(%dma_start3A_201 : memref<128xf32, #tpu.memory_space<hbm>>) target(%dma_start3A_198 : memref<128xf32, #tpu.memory_space<vmem>>) target_semaphore(%arg20 : memref<!tpu.dma_semaphore, #tpu.memory_space<semaphore_mem>>)
      } else {
      }
      %slice3A_152 = vector.extract_strided_slice %get3A_70 {offsets = [12], sizes = [1], strides = [1]} : vector<16xi32> to vector<1xi32>
      %squeeze3A_153 = vector.extract %slice3A_152[0] : i32 from vector<1xi32>
      %ge3A_154 = arith.constant 0 : i32
      %ge3A_155 = arith.cmpi sge, %squeeze3A_153, %ge3A_154 : i32
      %convert_element_type3A_156 = arith.extui %ge3A_155 : i1 to i32
      %cond3A_157 = arith.constant 0 : i32
      %cond3A_158 = arith.cmpi ne, %convert_element_type3A_156, %cond3A_157 : i32
      scf.if %cond3A_158 {
        %mul3A_186 = arith.constant 16 : i32
        %mul3A_187 = arith.muli %scan3A_66, %mul3A_186 : i32
        %add3A_188 = arith.constant 12 : i32
        %add3A_189 = arith.addi %mul3A_187, %add3A_188 : i32
        %dma_start3A_190 = arith.constant 0 : i32
        %dma_start3A_191 = tpu.memref_slice %arg15[%add3A_189, %dma_start3A_190] : memref<128x128xf32, #tpu.memory_space<vmem>> -> memref<1x128xf32, #tpu.memory_space<vmem>>
        %dma_start3A_192 = tpu.memref_squeeze %dma_start3A_191 : memref<1x128xf32, #tpu.memory_space<vmem>> -> memref<128xf32, #tpu.memory_space<vmem>>
        %dma_start3A_193 = arith.constant 0 : i32
        %dma_start3A_194 = tpu.memref_slice %arg4[%squeeze3A_153, %dma_start3A_193] : memref<4096x128xf32, #tpu.memory_space<hbm>> -> memref<1x128xf32, #tpu.memory_space<hbm>>
        %dma_start3A_195 = tpu.memref_squeeze %dma_start3A_194 : memref<1x128xf32, #tpu.memory_space<hbm>> -> memref<128xf32, #tpu.memory_space<hbm>>
        %dma_start3A_196 = arith.constant 0 : i32
        %dma_start3A_197 = tpu.memref_slice %arg15[%add3A_189, %dma_start3A_196] : memref<128x128xf32, #tpu.memory_space<vmem>> -> memref<1x128xf32, #tpu.memory_space<vmem>>
        %dma_start3A_198 = tpu.memref_squeeze %dma_start3A_197 : memref<1x128xf32, #tpu.memory_space<vmem>> -> memref<128xf32, #tpu.memory_space<vmem>>
        %dma_start3A_199 = arith.constant 0 : i32
        %dma_start3A_200 = tpu.memref_slice %arg4[%squeeze3A_153, %dma_start3A_199] : memref<4096x128xf32, #tpu.memory_space<hbm>> -> memref<1x128xf32, #tpu.memory_space<hbm>>
        %dma_start3A_201 = tpu.memref_squeeze %dma_start3A_200 : memref<1x128xf32, #tpu.memory_space<hbm>> -> memref<128xf32, #tpu.memory_space<hbm>>
        tpu.enqueue_dma source(%dma_start3A_201 : memref<128xf32, #tpu.memory_space<hbm>>) target(%dma_start3A_198 : memref<128xf32, #tpu.memory_space<vmem>>) target_semaphore(%arg20 : memref<!tpu.dma_semaphore, #tpu.memory_space<semaphore_mem>>)
      } else {
      }
      %slice3A_159 = vector.extract_strided_slice %get3A_70 {offsets = [13], sizes = [1], strides = [1]} : vector<16xi32> to vector<1xi32>
      %squeeze3A_160 = vector.extract %slice3A_159[0] : i32 from vector<1xi32>
      %ge3A_161 = arith.constant 0 : i32
      %ge3A_162 = arith.cmpi sge, %squeeze3A_160, %ge3A_161 : i32
      %convert_element_type3A_163 = arith.extui %ge3A_162 : i1 to i32
      %cond3A_164 = arith.constant 0 : i32
      %cond3A_165 = arith.cmpi ne, %convert_element_type3A_163, %cond3A_164 : i32
      scf.if %cond3A_165 {
        %mul3A_186 = arith.constant 16 : i32
        %mul3A_187 = arith.muli %scan3A_66, %mul3A_186 : i32
        %add3A_188 = arith.constant 13 : i32
        %add3A_189 = arith.addi %mul3A_187, %add3A_188 : i32
        %dma_start3A_190 = arith.constant 0 : i32
        %dma_start3A_191 = tpu.memref_slice %arg15[%add3A_189, %dma_start3A_190] : memref<128x128xf32, #tpu.memory_space<vmem>> -> memref<1x128xf32, #tpu.memory_space<vmem>>
        %dma_start3A_192 = tpu.memref_squeeze %dma_start3A_191 : memref<1x128xf32, #tpu.memory_space<vmem>> -> memref<128xf32, #tpu.memory_space<vmem>>
        %dma_start3A_193 = arith.constant 0 : i32
        %dma_start3A_194 = tpu.memref_slice %arg4[%squeeze3A_160, %dma_start3A_193] : memref<4096x128xf32, #tpu.memory_space<hbm>> -> memref<1x128xf32, #tpu.memory_space<hbm>>
        %dma_start3A_195 = tpu.memref_squeeze %dma_start3A_194 : memref<1x128xf32, #tpu.memory_space<hbm>> -> memref<128xf32, #tpu.memory_space<hbm>>
        %dma_start3A_196 = arith.constant 0 : i32
        %dma_start3A_197 = tpu.memref_slice %arg15[%add3A_189, %dma_start3A_196] : memref<128x128xf32, #tpu.memory_space<vmem>> -> memref<1x128xf32, #tpu.memory_space<vmem>>
        %dma_start3A_198 = tpu.memref_squeeze %dma_start3A_197 : memref<1x128xf32, #tpu.memory_space<vmem>> -> memref<128xf32, #tpu.memory_space<vmem>>
        %dma_start3A_199 = arith.constant 0 : i32
        %dma_start3A_200 = tpu.memref_slice %arg4[%squeeze3A_160, %dma_start3A_199] : memref<4096x128xf32, #tpu.memory_space<hbm>> -> memref<1x128xf32, #tpu.memory_space<hbm>>
        %dma_start3A_201 = tpu.memref_squeeze %dma_start3A_200 : memref<1x128xf32, #tpu.memory_space<hbm>> -> memref<128xf32, #tpu.memory_space<hbm>>
        tpu.enqueue_dma source(%dma_start3A_201 : memref<128xf32, #tpu.memory_space<hbm>>) target(%dma_start3A_198 : memref<128xf32, #tpu.memory_space<vmem>>) target_semaphore(%arg20 : memref<!tpu.dma_semaphore, #tpu.memory_space<semaphore_mem>>)
      } else {
      }
      %slice3A_166 = vector.extract_strided_slice %get3A_70 {offsets = [14], sizes = [1], strides = [1]} : vector<16xi32> to vector<1xi32>
      %squeeze3A_167 = vector.extract %slice3A_166[0] : i32 from vector<1xi32>
      %ge3A_168 = arith.constant 0 : i32
      %ge3A_169 = arith.cmpi sge, %squeeze3A_167, %ge3A_168 : i32
      %convert_element_type3A_170 = arith.extui %ge3A_169 : i1 to i32
      %cond3A_171 = arith.constant 0 : i32
      %cond3A_172 = arith.cmpi ne, %convert_element_type3A_170, %cond3A_171 : i32
      scf.if %cond3A_172 {
        %mul3A_186 = arith.constant 16 : i32
        %mul3A_187 = arith.muli %scan3A_66, %mul3A_186 : i32
        %add3A_188 = arith.constant 14 : i32
        %add3A_189 = arith.addi %mul3A_187, %add3A_188 : i32
        %dma_start3A_190 = arith.constant 0 : i32
        %dma_start3A_191 = tpu.memref_slice %arg15[%add3A_189, %dma_start3A_190] : memref<128x128xf32, #tpu.memory_space<vmem>> -> memref<1x128xf32, #tpu.memory_space<vmem>>
        %dma_start3A_192 = tpu.memref_squeeze %dma_start3A_191 : memref<1x128xf32, #tpu.memory_space<vmem>> -> memref<128xf32, #tpu.memory_space<vmem>>
        %dma_start3A_193 = arith.constant 0 : i32
        %dma_start3A_194 = tpu.memref_slice %arg4[%squeeze3A_167, %dma_start3A_193] : memref<4096x128xf32, #tpu.memory_space<hbm>> -> memref<1x128xf32, #tpu.memory_space<hbm>>
        %dma_start3A_195 = tpu.memref_squeeze %dma_start3A_194 : memref<1x128xf32, #tpu.memory_space<hbm>> -> memref<128xf32, #tpu.memory_space<hbm>>
        %dma_start3A_196 = arith.constant 0 : i32
        %dma_start3A_197 = tpu.memref_slice %arg15[%add3A_189, %dma_start3A_196] : memref<128x128xf32, #tpu.memory_space<vmem>> -> memref<1x128xf32, #tpu.memory_space<vmem>>
        %dma_start3A_198 = tpu.memref_squeeze %dma_start3A_197 : memref<1x128xf32, #tpu.memory_space<vmem>> -> memref<128xf32, #tpu.memory_space<vmem>>
        %dma_start3A_199 = arith.constant 0 : i32
        %dma_start3A_200 = tpu.memref_slice %arg4[%squeeze3A_167, %dma_start3A_199] : memref<4096x128xf32, #tpu.memory_space<hbm>> -> memref<1x128xf32, #tpu.memory_space<hbm>>
        %dma_start3A_201 = tpu.memref_squeeze %dma_start3A_200 : memref<1x128xf32, #tpu.memory_space<hbm>> -> memref<128xf32, #tpu.memory_space<hbm>>
        tpu.enqueue_dma source(%dma_start3A_201 : memref<128xf32, #tpu.memory_space<hbm>>) target(%dma_start3A_198 : memref<128xf32, #tpu.memory_space<vmem>>) target_semaphore(%arg20 : memref<!tpu.dma_semaphore, #tpu.memory_space<semaphore_mem>>)
      } else {
      }
      %slice3A_173 = vector.extract_strided_slice %get3A_70 {offsets = [15], sizes = [1], strides = [1]} : vector<16xi32> to vector<1xi32>
      %squeeze3A_174 = vector.extract %slice3A_173[0] : i32 from vector<1xi32>
      %ge3A_175 = arith.constant 0 : i32
      %ge3A_176 = arith.cmpi sge, %squeeze3A_174, %ge3A_175 : i32
      %convert_element_type3A_177 = arith.extui %ge3A_176 : i1 to i32
      %cond3A_178 = arith.constant 0 : i32
      %cond3A_179 = arith.cmpi ne, %convert_element_type3A_177, %cond3A_178 : i32
      scf.if %cond3A_179 {
        %mul3A_186 = arith.constant 16 : i32
        %mul3A_187 = arith.muli %scan3A_66, %mul3A_186 : i32
        %add3A_188 = arith.constant 15 : i32
        %add3A_189 = arith.addi %mul3A_187, %add3A_188 : i32
        %dma_start3A_190 = arith.constant 0 : i32
        %dma_start3A_191 = tpu.memref_slice %arg15[%add3A_189, %dma_start3A_190] : memref<128x128xf32, #tpu.memory_space<vmem>> -> memref<1x128xf32, #tpu.memory_space<vmem>>
        %dma_start3A_192 = tpu.memref_squeeze %dma_start3A_191 : memref<1x128xf32, #tpu.memory_space<vmem>> -> memref<128xf32, #tpu.memory_space<vmem>>
        %dma_start3A_193 = arith.constant 0 : i32
        %dma_start3A_194 = tpu.memref_slice %arg4[%squeeze3A_174, %dma_start3A_193] : memref<4096x128xf32, #tpu.memory_space<hbm>> -> memref<1x128xf32, #tpu.memory_space<hbm>>
        %dma_start3A_195 = tpu.memref_squeeze %dma_start3A_194 : memref<1x128xf32, #tpu.memory_space<hbm>> -> memref<128xf32, #tpu.memory_space<hbm>>
        %dma_start3A_196 = arith.constant 0 : i32
        %dma_start3A_197 = tpu.memref_slice %arg15[%add3A_189, %dma_start3A_196] : memref<128x128xf32, #tpu.memory_space<vmem>> -> memref<1x128xf32, #tpu.memory_space<vmem>>
        %dma_start3A_198 = tpu.memref_squeeze %dma_start3A_197 : memref<1x128xf32, #tpu.memory_space<vmem>> -> memref<128xf32, #tpu.memory_space<vmem>>
        %dma_start3A_199 = arith.constant 0 : i32
        %dma_start3A_200 = tpu.memref_slice %arg4[%squeeze3A_174, %dma_start3A_199] : memref<4096x128xf32, #tpu.memory_space<hbm>> -> memref<1x128xf32, #tpu.memory_space<hbm>>
        %dma_start3A_201 = tpu.memref_squeeze %dma_start3A_200 : memref<1x128xf32, #tpu.memory_space<hbm>> -> memref<128xf32, #tpu.memory_space<hbm>>
        tpu.enqueue_dma source(%dma_start3A_201 : memref<128xf32, #tpu.memory_space<hbm>>) target(%dma_start3A_198 : memref<128xf32, #tpu.memory_space<vmem>>) target_semaphore(%arg20 : memref<!tpu.dma_semaphore, #tpu.memory_space<semaphore_mem>>)
      } else {
      }
      %ge3A_180 = arith.constant 0 : i32
      %ge3A_181 = vector.broadcast %ge3A_180 : i32 to vector<16xi32>
      %ge3A_182 = arith.cmpi sge, %get3A_70, %ge3A_181 : vector<16xi32>
      %all_reduce_population_count3A = tpu.all_reduce %ge3A_182 {dim = 0 : i64, kind = #tpu.reduction_kind<sum>} : vector<16xi1> -> vector<16xi32>
      %slice3A_183 = vector.extract_strided_slice %all_reduce_population_count3A {offsets = [0], sizes = [1], strides = [1]} : vector<16xi32> to vector<1xi32>
      %squeeze3A_184 = vector.extract %slice3A_183[0] : i32 from vector<1xi32>
      %add3A_185 = arith.addi %scan3A_67, %squeeze3A_184 : i32
      scf.yield %add3A_185 : i32
    }
    %scan3A_40 = arith.constant 8 : i32
    %while3A = arith.constant 0 : i32
    %while3A_41 = arith.constant 0 : i32
    %while3A_42 = arith.subi %scan3A_39, %while3A_41 : i32
    %while3A_43 = arith.addi %while3A_41, %while3A_42 : i32
    %while3A_44 = arith.constant 1 : i32
    %while3A_45 = arith.divsi %while3A_42, %while3A_44 : i32
    %while3A_46 = arith.muli %while3A_45, %while3A_44 : i32
    %while3A_47 = arith.addi %while3A_41, %while3A_46 : i32
    %while3A_48 = arith.constant 1 : i32
    scf.for %while3A_66 = %while3A_41 to %while3A_47 step %while3A_48  : i32 {
      %dma_wait3A = arith.constant 0 : i32
      %dma_wait3A_67 = arith.constant 0 : i32
      %dma_wait3A_68 = arith.constant 0 : i32
      %dma_wait3A_69 = tpu.memref_slice %arg15[%dma_wait3A_67, %dma_wait3A_68] : memref<128x128xf32, #tpu.memory_space<vmem>> -> memref<1x128xf32, #tpu.memory_space<vmem>>
      %dma_wait3A_70 = tpu.memref_squeeze %dma_wait3A_69 : memref<1x128xf32, #tpu.memory_space<vmem>> -> memref<128xf32, #tpu.memory_space<vmem>>
      %dma_wait3A_71 = arith.constant 0 : i32
      %dma_wait3A_72 = tpu.memref_slice %arg4[%dma_wait3A, %dma_wait3A_71] : memref<4096x128xf32, #tpu.memory_space<hbm>> -> memref<1x128xf32, #tpu.memory_space<hbm>>
      %dma_wait3A_73 = tpu.memref_squeeze %dma_wait3A_72 : memref<1x128xf32, #tpu.memory_space<hbm>> -> memref<128xf32, #tpu.memory_space<hbm>>
      %dma_wait3A_74 = arith.constant 0 : i32
      %dma_wait3A_75 = tpu.memref_slice %arg15[%dma_wait3A_67, %dma_wait3A_74] : memref<128x128xf32, #tpu.memory_space<vmem>> -> memref<1x128xf32, #tpu.memory_space<vmem>>
      %dma_wait3A_76 = tpu.memref_squeeze %dma_wait3A_75 : memref<1x128xf32, #tpu.memory_space<vmem>> -> memref<128xf32, #tpu.memory_space<vmem>>
      %dma_wait3A_77 = arith.constant 0 : i32
      %dma_wait3A_78 = tpu.memref_slice %arg4[%dma_wait3A, %dma_wait3A_77] : memref<4096x128xf32, #tpu.memory_space<hbm>> -> memref<1x128xf32, #tpu.memory_space<hbm>>
      %dma_wait3A_79 = tpu.memref_squeeze %dma_wait3A_78 : memref<1x128xf32, #tpu.memory_space<hbm>> -> memref<128xf32, #tpu.memory_space<hbm>>
      tpu.wait_dma2 semaphore(%arg20 : memref<!tpu.dma_semaphore, #tpu.memory_space<semaphore_mem>>) src(%dma_wait3A_79 : memref<128xf32, #tpu.memory_space<hbm>>) dst(%dma_wait3A_76 : memref<128xf32, #tpu.memory_space<vmem>>)
    }
    %while3A_49 = arith.constant 1 : i32
    scf.for %while3A_66 = %while3A_47 to %while3A_43 step %while3A_49  : i32 {
      %dma_wait3A = arith.constant 0 : i32
      %dma_wait3A_67 = arith.constant 0 : i32
      %dma_wait3A_68 = arith.constant 0 : i32
      %dma_wait3A_69 = tpu.memref_slice %arg15[%dma_wait3A_67, %dma_wait3A_68] : memref<128x128xf32, #tpu.memory_space<vmem>> -> memref<1x128xf32, #tpu.memory_space<vmem>>
      %dma_wait3A_70 = tpu.memref_squeeze %dma_wait3A_69 : memref<1x128xf32, #tpu.memory_space<vmem>> -> memref<128xf32, #tpu.memory_space<vmem>>
      %dma_wait3A_71 = arith.constant 0 : i32
      %dma_wait3A_72 = tpu.memref_slice %arg4[%dma_wait3A, %dma_wait3A_71] : memref<4096x128xf32, #tpu.memory_space<hbm>> -> memref<1x128xf32, #tpu.memory_space<hbm>>
      %dma_wait3A_73 = tpu.memref_squeeze %dma_wait3A_72 : memref<1x128xf32, #tpu.memory_space<hbm>> -> memref<128xf32, #tpu.memory_space<hbm>>
      %dma_wait3A_74 = arith.constant 0 : i32
      %dma_wait3A_75 = tpu.memref_slice %arg15[%dma_wait3A_67, %dma_wait3A_74] : memref<128x128xf32, #tpu.memory_space<vmem>> -> memref<1x128xf32, #tpu.memory_space<vmem>>
      %dma_wait3A_76 = tpu.memref_squeeze %dma_wait3A_75 : memref<1x128xf32, #tpu.memory_space<vmem>> -> memref<128xf32, #tpu.memory_space<vmem>>
      %dma_wait3A_77 = arith.constant 0 : i32
      %dma_wait3A_78 = tpu.memref_slice %arg4[%dma_wait3A, %dma_wait3A_77] : memref<4096x128xf32, #tpu.memory_space<hbm>> -> memref<1x128xf32, #tpu.memory_space<hbm>>
      %dma_wait3A_79 = tpu.memref_squeeze %dma_wait3A_78 : memref<1x128xf32, #tpu.memory_space<hbm>> -> memref<128xf32, #tpu.memory_space<hbm>>
      tpu.wait_dma2 semaphore(%arg20 : memref<!tpu.dma_semaphore, #tpu.memory_space<semaphore_mem>>) src(%dma_wait3A_79 : memref<128xf32, #tpu.memory_space<hbm>>) dst(%dma_wait3A_76 : memref<128xf32, #tpu.memory_space<vmem>>)
    }
    %scan3A_50 = arith.constant 0 : i32
    %scan3A_51 = arith.constant 0 : i32
    %scan3A_52 = arith.constant 8 : i32
    %scan3A_53 = arith.addi %scan3A_51, %scan3A_52 : i32
    %scan3A_54 = arith.constant 1 : i32
    scf.for %scan3A_66 = %scan3A_51 to %scan3A_53 step %scan3A_54  : i32 {
      %mul3A_67 = arith.constant 16 : i32
      %mul3A_68 = arith.muli %scan3A_66, %mul3A_67 : i32
      %get3A = arith.index_cast %mul3A_68 : i32 to index
      %get3A_69 = tpu.vector_load %arg14[%get3A] {strides = array<i32>} : memref<128xi32, #tpu.memory_space<vmem>>, vector<16xi32>,
      %slice3A = vector.extract_strided_slice %get3A_69 {offsets = [0], sizes = [1], strides = [1]} : vector<16xi32> to vector<1xi32>
      %squeeze3A = vector.extract %slice3A[0] : i32 from vector<1xi32>
      %ge3A = arith.constant 0 : i32
      %ge3A_70 = arith.cmpi sge, %squeeze3A, %ge3A : i32
      %convert_element_type3A_71 = arith.extui %ge3A_70 : i1 to i32
      %cond3A_72 = arith.constant 0 : i32
      %cond3A_73 = arith.cmpi ne, %convert_element_type3A_71, %cond3A_72 : i32
      scf.if %cond3A_73 {
        %mul3A_179 = arith.constant 16 : i32
        %mul3A_180 = arith.muli %scan3A_66, %mul3A_179 : i32
        %add3A_181 = arith.constant 0 : i32
        %add3A_182 = arith.addi %mul3A_180, %add3A_181 : i32
        %mul3A_183 = arith.constant 16 : i32
        %mul3A_184 = arith.muli %scan3A_66, %mul3A_183 : i32
        %add3A_185 = arith.addi %mul3A_2, %mul3A_184 : i32
        %add3A_186 = arith.constant 0 : i32
        %add3A_187 = arith.addi %add3A_185, %add3A_186 : i32
        %dma_start3A_188 = arith.constant 0 : i32
        %dma_start3A_189 = tpu.memref_slice %arg15[%add3A_182, %dma_start3A_188] : memref<128x128xf32, #tpu.memory_space<vmem>> -> memref<1x128xf32, #tpu.memory_space<vmem>>
        %dma_start3A_190 = tpu.memref_squeeze %dma_start3A_189 : memref<1x128xf32, #tpu.memory_space<vmem>> -> memref<128xf32, #tpu.memory_space<vmem>>
        %dma_start3A_191 = arith.constant 0 : i32
        %dma_start3A_192 = tpu.memref_slice %arg7[%add3A_187, %dma_start3A_191] : memref<4096x128xf32, #tpu.memory_space<hbm>> -> memref<1x128xf32, #tpu.memory_space<hbm>>
        %dma_start3A_193 = tpu.memref_squeeze %dma_start3A_192 : memref<1x128xf32, #tpu.memory_space<hbm>> -> memref<128xf32, #tpu.memory_space<hbm>>
        %dma_start3A_194 = arith.constant 0 : i32
        %dma_start3A_195 = tpu.memref_slice %arg7[%add3A_187, %dma_start3A_194] : memref<4096x128xf32, #tpu.memory_space<hbm>> -> memref<1x128xf32, #tpu.memory_space<hbm>>
        %dma_start3A_196 = tpu.memref_squeeze %dma_start3A_195 : memref<1x128xf32, #tpu.memory_space<hbm>> -> memref<128xf32, #tpu.memory_space<hbm>>
        %dma_start3A_197 = arith.constant 0 : i32
        %dma_start3A_198 = tpu.memref_slice %arg15[%add3A_182, %dma_start3A_197] : memref<128x128xf32, #tpu.memory_space<vmem>> -> memref<1x128xf32, #tpu.memory_space<vmem>>
        %dma_start3A_199 = tpu.memref_squeeze %dma_start3A_198 : memref<1x128xf32, #tpu.memory_space<vmem>> -> memref<128xf32, #tpu.memory_space<vmem>>
        tpu.enqueue_dma source(%dma_start3A_199 : memref<128xf32, #tpu.memory_space<vmem>>) target(%dma_start3A_196 : memref<128xf32, #tpu.memory_space<hbm>>) target_semaphore(%arg20 : memref<!tpu.dma_semaphore, #tpu.memory_space<semaphore_mem>>)
      } else {
      }
      %slice3A_74 = vector.extract_strided_slice %get3A_69 {offsets = [1], sizes = [1], strides = [1]} : vector<16xi32> to vector<1xi32>
      %squeeze3A_75 = vector.extract %slice3A_74[0] : i32 from vector<1xi32>
      %ge3A_76 = arith.constant 0 : i32
      %ge3A_77 = arith.cmpi sge, %squeeze3A_75, %ge3A_76 : i32
      %convert_element_type3A_78 = arith.extui %ge3A_77 : i1 to i32
      %cond3A_79 = arith.constant 0 : i32
      %cond3A_80 = arith.cmpi ne, %convert_element_type3A_78, %cond3A_79 : i32
      scf.if %cond3A_80 {
        %mul3A_179 = arith.constant 16 : i32
        %mul3A_180 = arith.muli %scan3A_66, %mul3A_179 : i32
        %add3A_181 = arith.constant 1 : i32
        %add3A_182 = arith.addi %mul3A_180, %add3A_181 : i32
        %mul3A_183 = arith.constant 16 : i32
        %mul3A_184 = arith.muli %scan3A_66, %mul3A_183 : i32
        %add3A_185 = arith.addi %mul3A_2, %mul3A_184 : i32
        %add3A_186 = arith.constant 1 : i32
        %add3A_187 = arith.addi %add3A_185, %add3A_186 : i32
        %dma_start3A_188 = arith.constant 0 : i32
        %dma_start3A_189 = tpu.memref_slice %arg15[%add3A_182, %dma_start3A_188] : memref<128x128xf32, #tpu.memory_space<vmem>> -> memref<1x128xf32, #tpu.memory_space<vmem>>
        %dma_start3A_190 = tpu.memref_squeeze %dma_start3A_189 : memref<1x128xf32, #tpu.memory_space<vmem>> -> memref<128xf32, #tpu.memory_space<vmem>>
        %dma_start3A_191 = arith.constant 0 : i32
        %dma_start3A_192 = tpu.memref_slice %arg7[%add3A_187, %dma_start3A_191] : memref<4096x128xf32, #tpu.memory_space<hbm>> -> memref<1x128xf32, #tpu.memory_space<hbm>>
        %dma_start3A_193 = tpu.memref_squeeze %dma_start3A_192 : memref<1x128xf32, #tpu.memory_space<hbm>> -> memref<128xf32, #tpu.memory_space<hbm>>
        %dma_start3A_194 = arith.constant 0 : i32
        %dma_start3A_195 = tpu.memref_slice %arg7[%add3A_187, %dma_start3A_194] : memref<4096x128xf32, #tpu.memory_space<hbm>> -> memref<1x128xf32, #tpu.memory_space<hbm>>
        %dma_start3A_196 = tpu.memref_squeeze %dma_start3A_195 : memref<1x128xf32, #tpu.memory_space<hbm>> -> memref<128xf32, #tpu.memory_space<hbm>>
        %dma_start3A_197 = arith.constant 0 : i32
        %dma_start3A_198 = tpu.memref_slice %arg15[%add3A_182, %dma_start3A_197] : memref<128x128xf32, #tpu.memory_space<vmem>> -> memref<1x128xf32, #tpu.memory_space<vmem>>
        %dma_start3A_199 = tpu.memref_squeeze %dma_start3A_198 : memref<1x128xf32, #tpu.memory_space<vmem>> -> memref<128xf32, #tpu.memory_space<vmem>>
        tpu.enqueue_dma source(%dma_start3A_199 : memref<128xf32, #tpu.memory_space<vmem>>) target(%dma_start3A_196 : memref<128xf32, #tpu.memory_space<hbm>>) target_semaphore(%arg20 : memref<!tpu.dma_semaphore, #tpu.memory_space<semaphore_mem>>)
      } else {
      }
      %slice3A_81 = vector.extract_strided_slice %get3A_69 {offsets = [2], sizes = [1], strides = [1]} : vector<16xi32> to vector<1xi32>
      %squeeze3A_82 = vector.extract %slice3A_81[0] : i32 from vector<1xi32>
      %ge3A_83 = arith.constant 0 : i32
      %ge3A_84 = arith.cmpi sge, %squeeze3A_82, %ge3A_83 : i32
      %convert_element_type3A_85 = arith.extui %ge3A_84 : i1 to i32
      %cond3A_86 = arith.constant 0 : i32
      %cond3A_87 = arith.cmpi ne, %convert_element_type3A_85, %cond3A_86 : i32
      scf.if %cond3A_87 {
        %mul3A_179 = arith.constant 16 : i32
        %mul3A_180 = arith.muli %scan3A_66, %mul3A_179 : i32
        %add3A_181 = arith.constant 2 : i32
        %add3A_182 = arith.addi %mul3A_180, %add3A_181 : i32
        %mul3A_183 = arith.constant 16 : i32
        %mul3A_184 = arith.muli %scan3A_66, %mul3A_183 : i32
        %add3A_185 = arith.addi %mul3A_2, %mul3A_184 : i32
        %add3A_186 = arith.constant 2 : i32
        %add3A_187 = arith.addi %add3A_185, %add3A_186 : i32
        %dma_start3A_188 = arith.constant 0 : i32
        %dma_start3A_189 = tpu.memref_slice %arg15[%add3A_182, %dma_start3A_188] : memref<128x128xf32, #tpu.memory_space<vmem>> -> memref<1x128xf32, #tpu.memory_space<vmem>>
        %dma_start3A_190 = tpu.memref_squeeze %dma_start3A_189 : memref<1x128xf32, #tpu.memory_space<vmem>> -> memref<128xf32, #tpu.memory_space<vmem>>
        %dma_start3A_191 = arith.constant 0 : i32
        %dma_start3A_192 = tpu.memref_slice %arg7[%add3A_187, %dma_start3A_191] : memref<4096x128xf32, #tpu.memory_space<hbm>> -> memref<1x128xf32, #tpu.memory_space<hbm>>
        %dma_start3A_193 = tpu.memref_squeeze %dma_start3A_192 : memref<1x128xf32, #tpu.memory_space<hbm>> -> memref<128xf32, #tpu.memory_space<hbm>>
        %dma_start3A_194 = arith.constant 0 : i32
        %dma_start3A_195 = tpu.memref_slice %arg7[%add3A_187, %dma_start3A_194] : memref<4096x128xf32, #tpu.memory_space<hbm>> -> memref<1x128xf32, #tpu.memory_space<hbm>>
        %dma_start3A_196 = tpu.memref_squeeze %dma_start3A_195 : memref<1x128xf32, #tpu.memory_space<hbm>> -> memref<128xf32, #tpu.memory_space<hbm>>
        %dma_start3A_197 = arith.constant 0 : i32
        %dma_start3A_198 = tpu.memref_slice %arg15[%add3A_182, %dma_start3A_197] : memref<128x128xf32, #tpu.memory_space<vmem>> -> memref<1x128xf32, #tpu.memory_space<vmem>>
        %dma_start3A_199 = tpu.memref_squeeze %dma_start3A_198 : memref<1x128xf32, #tpu.memory_space<vmem>> -> memref<128xf32, #tpu.memory_space<vmem>>
        tpu.enqueue_dma source(%dma_start3A_199 : memref<128xf32, #tpu.memory_space<vmem>>) target(%dma_start3A_196 : memref<128xf32, #tpu.memory_space<hbm>>) target_semaphore(%arg20 : memref<!tpu.dma_semaphore, #tpu.memory_space<semaphore_mem>>)
      } else {
      }
      %slice3A_88 = vector.extract_strided_slice %get3A_69 {offsets = [3], sizes = [1], strides = [1]} : vector<16xi32> to vector<1xi32>
      %squeeze3A_89 = vector.extract %slice3A_88[0] : i32 from vector<1xi32>
      %ge3A_90 = arith.constant 0 : i32
      %ge3A_91 = arith.cmpi sge, %squeeze3A_89, %ge3A_90 : i32
      %convert_element_type3A_92 = arith.extui %ge3A_91 : i1 to i32
      %cond3A_93 = arith.constant 0 : i32
      %cond3A_94 = arith.cmpi ne, %convert_element_type3A_92, %cond3A_93 : i32
      scf.if %cond3A_94 {
        %mul3A_179 = arith.constant 16 : i32
        %mul3A_180 = arith.muli %scan3A_66, %mul3A_179 : i32
        %add3A_181 = arith.constant 3 : i32
        %add3A_182 = arith.addi %mul3A_180, %add3A_181 : i32
        %mul3A_183 = arith.constant 16 : i32
        %mul3A_184 = arith.muli %scan3A_66, %mul3A_183 : i32
        %add3A_185 = arith.addi %mul3A_2, %mul3A_184 : i32
        %add3A_186 = arith.constant 3 : i32
        %add3A_187 = arith.addi %add3A_185, %add3A_186 : i32
        %dma_start3A_188 = arith.constant 0 : i32
        %dma_start3A_189 = tpu.memref_slice %arg15[%add3A_182, %dma_start3A_188] : memref<128x128xf32, #tpu.memory_space<vmem>> -> memref<1x128xf32, #tpu.memory_space<vmem>>
        %dma_start3A_190 = tpu.memref_squeeze %dma_start3A_189 : memref<1x128xf32, #tpu.memory_space<vmem>> -> memref<128xf32, #tpu.memory_space<vmem>>
        %dma_start3A_191 = arith.constant 0 : i32
        %dma_start3A_192 = tpu.memref_slice %arg7[%add3A_187, %dma_start3A_191] : memref<4096x128xf32, #tpu.memory_space<hbm>> -> memref<1x128xf32, #tpu.memory_space<hbm>>
        %dma_start3A_193 = tpu.memref_squeeze %dma_start3A_192 : memref<1x128xf32, #tpu.memory_space<hbm>> -> memref<128xf32, #tpu.memory_space<hbm>>
        %dma_start3A_194 = arith.constant 0 : i32
        %dma_start3A_195 = tpu.memref_slice %arg7[%add3A_187, %dma_start3A_194] : memref<4096x128xf32, #tpu.memory_space<hbm>> -> memref<1x128xf32, #tpu.memory_space<hbm>>
        %dma_start3A_196 = tpu.memref_squeeze %dma_start3A_195 : memref<1x128xf32, #tpu.memory_space<hbm>> -> memref<128xf32, #tpu.memory_space<hbm>>
        %dma_start3A_197 = arith.constant 0 : i32
        %dma_start3A_198 = tpu.memref_slice %arg15[%add3A_182, %dma_start3A_197] : memref<128x128xf32, #tpu.memory_space<vmem>> -> memref<1x128xf32, #tpu.memory_space<vmem>>
        %dma_start3A_199 = tpu.memref_squeeze %dma_start3A_198 : memref<1x128xf32, #tpu.memory_space<vmem>> -> memref<128xf32, #tpu.memory_space<vmem>>
        tpu.enqueue_dma source(%dma_start3A_199 : memref<128xf32, #tpu.memory_space<vmem>>) target(%dma_start3A_196 : memref<128xf32, #tpu.memory_space<hbm>>) target_semaphore(%arg20 : memref<!tpu.dma_semaphore, #tpu.memory_space<semaphore_mem>>)
      } else {
      }
      %slice3A_95 = vector.extract_strided_slice %get3A_69 {offsets = [4], sizes = [1], strides = [1]} : vector<16xi32> to vector<1xi32>
      %squeeze3A_96 = vector.extract %slice3A_95[0] : i32 from vector<1xi32>
      %ge3A_97 = arith.constant 0 : i32
      %ge3A_98 = arith.cmpi sge, %squeeze3A_96, %ge3A_97 : i32
      %convert_element_type3A_99 = arith.extui %ge3A_98 : i1 to i32
      %cond3A_100 = arith.constant 0 : i32
      %cond3A_101 = arith.cmpi ne, %convert_element_type3A_99, %cond3A_100 : i32
      scf.if %cond3A_101 {
        %mul3A_179 = arith.constant 16 : i32
        %mul3A_180 = arith.muli %scan3A_66, %mul3A_179 : i32
        %add3A_181 = arith.constant 4 : i32
        %add3A_182 = arith.addi %mul3A_180, %add3A_181 : i32
        %mul3A_183 = arith.constant 16 : i32
        %mul3A_184 = arith.muli %scan3A_66, %mul3A_183 : i32
        %add3A_185 = arith.addi %mul3A_2, %mul3A_184 : i32
        %add3A_186 = arith.constant 4 : i32
        %add3A_187 = arith.addi %add3A_185, %add3A_186 : i32
        %dma_start3A_188 = arith.constant 0 : i32
        %dma_start3A_189 = tpu.memref_slice %arg15[%add3A_182, %dma_start3A_188] : memref<128x128xf32, #tpu.memory_space<vmem>> -> memref<1x128xf32, #tpu.memory_space<vmem>>
        %dma_start3A_190 = tpu.memref_squeeze %dma_start3A_189 : memref<1x128xf32, #tpu.memory_space<vmem>> -> memref<128xf32, #tpu.memory_space<vmem>>
        %dma_start3A_191 = arith.constant 0 : i32
        %dma_start3A_192 = tpu.memref_slice %arg7[%add3A_187, %dma_start3A_191] : memref<4096x128xf32, #tpu.memory_space<hbm>> -> memref<1x128xf32, #tpu.memory_space<hbm>>
        %dma_start3A_193 = tpu.memref_squeeze %dma_start3A_192 : memref<1x128xf32, #tpu.memory_space<hbm>> -> memref<128xf32, #tpu.memory_space<hbm>>
        %dma_start3A_194 = arith.constant 0 : i32
        %dma_start3A_195 = tpu.memref_slice %arg7[%add3A_187, %dma_start3A_194] : memref<4096x128xf32, #tpu.memory_space<hbm>> -> memref<1x128xf32, #tpu.memory_space<hbm>>
        %dma_start3A_196 = tpu.memref_squeeze %dma_start3A_195 : memref<1x128xf32, #tpu.memory_space<hbm>> -> memref<128xf32, #tpu.memory_space<hbm>>
        %dma_start3A_197 = arith.constant 0 : i32
        %dma_start3A_198 = tpu.memref_slice %arg15[%add3A_182, %dma_start3A_197] : memref<128x128xf32, #tpu.memory_space<vmem>> -> memref<1x128xf32, #tpu.memory_space<vmem>>
        %dma_start3A_199 = tpu.memref_squeeze %dma_start3A_198 : memref<1x128xf32, #tpu.memory_space<vmem>> -> memref<128xf32, #tpu.memory_space<vmem>>
        tpu.enqueue_dma source(%dma_start3A_199 : memref<128xf32, #tpu.memory_space<vmem>>) target(%dma_start3A_196 : memref<128xf32, #tpu.memory_space<hbm>>) target_semaphore(%arg20 : memref<!tpu.dma_semaphore, #tpu.memory_space<semaphore_mem>>)
      } else {
      }
      %slice3A_102 = vector.extract_strided_slice %get3A_69 {offsets = [5], sizes = [1], strides = [1]} : vector<16xi32> to vector<1xi32>
      %squeeze3A_103 = vector.extract %slice3A_102[0] : i32 from vector<1xi32>
      %ge3A_104 = arith.constant 0 : i32
      %ge3A_105 = arith.cmpi sge, %squeeze3A_103, %ge3A_104 : i32
      %convert_element_type3A_106 = arith.extui %ge3A_105 : i1 to i32
      %cond3A_107 = arith.constant 0 : i32
      %cond3A_108 = arith.cmpi ne, %convert_element_type3A_106, %cond3A_107 : i32
      scf.if %cond3A_108 {
        %mul3A_179 = arith.constant 16 : i32
        %mul3A_180 = arith.muli %scan3A_66, %mul3A_179 : i32
        %add3A_181 = arith.constant 5 : i32
        %add3A_182 = arith.addi %mul3A_180, %add3A_181 : i32
        %mul3A_183 = arith.constant 16 : i32
        %mul3A_184 = arith.muli %scan3A_66, %mul3A_183 : i32
        %add3A_185 = arith.addi %mul3A_2, %mul3A_184 : i32
        %add3A_186 = arith.constant 5 : i32
        %add3A_187 = arith.addi %add3A_185, %add3A_186 : i32
        %dma_start3A_188 = arith.constant 0 : i32
        %dma_start3A_189 = tpu.memref_slice %arg15[%add3A_182, %dma_start3A_188] : memref<128x128xf32, #tpu.memory_space<vmem>> -> memref<1x128xf32, #tpu.memory_space<vmem>>
        %dma_start3A_190 = tpu.memref_squeeze %dma_start3A_189 : memref<1x128xf32, #tpu.memory_space<vmem>> -> memref<128xf32, #tpu.memory_space<vmem>>
        %dma_start3A_191 = arith.constant 0 : i32
        %dma_start3A_192 = tpu.memref_slice %arg7[%add3A_187, %dma_start3A_191] : memref<4096x128xf32, #tpu.memory_space<hbm>> -> memref<1x128xf32, #tpu.memory_space<hbm>>
        %dma_start3A_193 = tpu.memref_squeeze %dma_start3A_192 : memref<1x128xf32, #tpu.memory_space<hbm>> -> memref<128xf32, #tpu.memory_space<hbm>>
        %dma_start3A_194 = arith.constant 0 : i32
        %dma_start3A_195 = tpu.memref_slice %arg7[%add3A_187, %dma_start3A_194] : memref<4096x128xf32, #tpu.memory_space<hbm>> -> memref<1x128xf32, #tpu.memory_space<hbm>>
        %dma_start3A_196 = tpu.memref_squeeze %dma_start3A_195 : memref<1x128xf32, #tpu.memory_space<hbm>> -> memref<128xf32, #tpu.memory_space<hbm>>
        %dma_start3A_197 = arith.constant 0 : i32
        %dma_start3A_198 = tpu.memref_slice %arg15[%add3A_182, %dma_start3A_197] : memref<128x128xf32, #tpu.memory_space<vmem>> -> memref<1x128xf32, #tpu.memory_space<vmem>>
        %dma_start3A_199 = tpu.memref_squeeze %dma_start3A_198 : memref<1x128xf32, #tpu.memory_space<vmem>> -> memref<128xf32, #tpu.memory_space<vmem>>
        tpu.enqueue_dma source(%dma_start3A_199 : memref<128xf32, #tpu.memory_space<vmem>>) target(%dma_start3A_196 : memref<128xf32, #tpu.memory_space<hbm>>) target_semaphore(%arg20 : memref<!tpu.dma_semaphore, #tpu.memory_space<semaphore_mem>>)
      } else {
      }
      %slice3A_109 = vector.extract_strided_slice %get3A_69 {offsets = [6], sizes = [1], strides = [1]} : vector<16xi32> to vector<1xi32>
      %squeeze3A_110 = vector.extract %slice3A_109[0] : i32 from vector<1xi32>
      %ge3A_111 = arith.constant 0 : i32
      %ge3A_112 = arith.cmpi sge, %squeeze3A_110, %ge3A_111 : i32
      %convert_element_type3A_113 = arith.extui %ge3A_112 : i1 to i32
      %cond3A_114 = arith.constant 0 : i32
      %cond3A_115 = arith.cmpi ne, %convert_element_type3A_113, %cond3A_114 : i32
      scf.if %cond3A_115 {
        %mul3A_179 = arith.constant 16 : i32
        %mul3A_180 = arith.muli %scan3A_66, %mul3A_179 : i32
        %add3A_181 = arith.constant 6 : i32
        %add3A_182 = arith.addi %mul3A_180, %add3A_181 : i32
        %mul3A_183 = arith.constant 16 : i32
        %mul3A_184 = arith.muli %scan3A_66, %mul3A_183 : i32
        %add3A_185 = arith.addi %mul3A_2, %mul3A_184 : i32
        %add3A_186 = arith.constant 6 : i32
        %add3A_187 = arith.addi %add3A_185, %add3A_186 : i32
        %dma_start3A_188 = arith.constant 0 : i32
        %dma_start3A_189 = tpu.memref_slice %arg15[%add3A_182, %dma_start3A_188] : memref<128x128xf32, #tpu.memory_space<vmem>> -> memref<1x128xf32, #tpu.memory_space<vmem>>
        %dma_start3A_190 = tpu.memref_squeeze %dma_start3A_189 : memref<1x128xf32, #tpu.memory_space<vmem>> -> memref<128xf32, #tpu.memory_space<vmem>>
        %dma_start3A_191 = arith.constant 0 : i32
        %dma_start3A_192 = tpu.memref_slice %arg7[%add3A_187, %dma_start3A_191] : memref<4096x128xf32, #tpu.memory_space<hbm>> -> memref<1x128xf32, #tpu.memory_space<hbm>>
        %dma_start3A_193 = tpu.memref_squeeze %dma_start3A_192 : memref<1x128xf32, #tpu.memory_space<hbm>> -> memref<128xf32, #tpu.memory_space<hbm>>
        %dma_start3A_194 = arith.constant 0 : i32
        %dma_start3A_195 = tpu.memref_slice %arg7[%add3A_187, %dma_start3A_194] : memref<4096x128xf32, #tpu.memory_space<hbm>> -> memref<1x128xf32, #tpu.memory_space<hbm>>
        %dma_start3A_196 = tpu.memref_squeeze %dma_start3A_195 : memref<1x128xf32, #tpu.memory_space<hbm>> -> memref<128xf32, #tpu.memory_space<hbm>>
        %dma_start3A_197 = arith.constant 0 : i32
        %dma_start3A_198 = tpu.memref_slice %arg15[%add3A_182, %dma_start3A_197] : memref<128x128xf32, #tpu.memory_space<vmem>> -> memref<1x128xf32, #tpu.memory_space<vmem>>
        %dma_start3A_199 = tpu.memref_squeeze %dma_start3A_198 : memref<1x128xf32, #tpu.memory_space<vmem>> -> memref<128xf32, #tpu.memory_space<vmem>>
        tpu.enqueue_dma source(%dma_start3A_199 : memref<128xf32, #tpu.memory_space<vmem>>) target(%dma_start3A_196 : memref<128xf32, #tpu.memory_space<hbm>>) target_semaphore(%arg20 : memref<!tpu.dma_semaphore, #tpu.memory_space<semaphore_mem>>)
      } else {
      }
      %slice3A_116 = vector.extract_strided_slice %get3A_69 {offsets = [7], sizes = [1], strides = [1]} : vector<16xi32> to vector<1xi32>
      %squeeze3A_117 = vector.extract %slice3A_116[0] : i32 from vector<1xi32>
      %ge3A_118 = arith.constant 0 : i32
      %ge3A_119 = arith.cmpi sge, %squeeze3A_117, %ge3A_118 : i32
      %convert_element_type3A_120 = arith.extui %ge3A_119 : i1 to i32
      %cond3A_121 = arith.constant 0 : i32
      %cond3A_122 = arith.cmpi ne, %convert_element_type3A_120, %cond3A_121 : i32
      scf.if %cond3A_122 {
        %mul3A_179 = arith.constant 16 : i32
        %mul3A_180 = arith.muli %scan3A_66, %mul3A_179 : i32
        %add3A_181 = arith.constant 7 : i32
        %add3A_182 = arith.addi %mul3A_180, %add3A_181 : i32
        %mul3A_183 = arith.constant 16 : i32
        %mul3A_184 = arith.muli %scan3A_66, %mul3A_183 : i32
        %add3A_185 = arith.addi %mul3A_2, %mul3A_184 : i32
        %add3A_186 = arith.constant 7 : i32
        %add3A_187 = arith.addi %add3A_185, %add3A_186 : i32
        %dma_start3A_188 = arith.constant 0 : i32
        %dma_start3A_189 = tpu.memref_slice %arg15[%add3A_182, %dma_start3A_188] : memref<128x128xf32, #tpu.memory_space<vmem>> -> memref<1x128xf32, #tpu.memory_space<vmem>>
        %dma_start3A_190 = tpu.memref_squeeze %dma_start3A_189 : memref<1x128xf32, #tpu.memory_space<vmem>> -> memref<128xf32, #tpu.memory_space<vmem>>
        %dma_start3A_191 = arith.constant 0 : i32
        %dma_start3A_192 = tpu.memref_slice %arg7[%add3A_187, %dma_start3A_191] : memref<4096x128xf32, #tpu.memory_space<hbm>> -> memref<1x128xf32, #tpu.memory_space<hbm>>
        %dma_start3A_193 = tpu.memref_squeeze %dma_start3A_192 : memref<1x128xf32, #tpu.memory_space<hbm>> -> memref<128xf32, #tpu.memory_space<hbm>>
        %dma_start3A_194 = arith.constant 0 : i32
        %dma_start3A_195 = tpu.memref_slice %arg7[%add3A_187, %dma_start3A_194] : memref<4096x128xf32, #tpu.memory_space<hbm>> -> memref<1x128xf32, #tpu.memory_space<hbm>>
        %dma_start3A_196 = tpu.memref_squeeze %dma_start3A_195 : memref<1x128xf32, #tpu.memory_space<hbm>> -> memref<128xf32, #tpu.memory_space<hbm>>
        %dma_start3A_197 = arith.constant 0 : i32
        %dma_start3A_198 = tpu.memref_slice %arg15[%add3A_182, %dma_start3A_197] : memref<128x128xf32, #tpu.memory_space<vmem>> -> memref<1x128xf32, #tpu.memory_space<vmem>>
        %dma_start3A_199 = tpu.memref_squeeze %dma_start3A_198 : memref<1x128xf32, #tpu.memory_space<vmem>> -> memref<128xf32, #tpu.memory_space<vmem>>
        tpu.enqueue_dma source(%dma_start3A_199 : memref<128xf32, #tpu.memory_space<vmem>>) target(%dma_start3A_196 : memref<128xf32, #tpu.memory_space<hbm>>) target_semaphore(%arg20 : memref<!tpu.dma_semaphore, #tpu.memory_space<semaphore_mem>>)
      } else {
      }
      %slice3A_123 = vector.extract_strided_slice %get3A_69 {offsets = [8], sizes = [1], strides = [1]} : vector<16xi32> to vector<1xi32>
      %squeeze3A_124 = vector.extract %slice3A_123[0] : i32 from vector<1xi32>
      %ge3A_125 = arith.constant 0 : i32
      %ge3A_126 = arith.cmpi sge, %squeeze3A_124, %ge3A_125 : i32
      %convert_element_type3A_127 = arith.extui %ge3A_126 : i1 to i32
      %cond3A_128 = arith.constant 0 : i32
      %cond3A_129 = arith.cmpi ne, %convert_element_type3A_127, %cond3A_128 : i32
      scf.if %cond3A_129 {
        %mul3A_179 = arith.constant 16 : i32
        %mul3A_180 = arith.muli %scan3A_66, %mul3A_179 : i32
        %add3A_181 = arith.constant 8 : i32
        %add3A_182 = arith.addi %mul3A_180, %add3A_181 : i32
        %mul3A_183 = arith.constant 16 : i32
        %mul3A_184 = arith.muli %scan3A_66, %mul3A_183 : i32
        %add3A_185 = arith.addi %mul3A_2, %mul3A_184 : i32
        %add3A_186 = arith.constant 8 : i32
        %add3A_187 = arith.addi %add3A_185, %add3A_186 : i32
        %dma_start3A_188 = arith.constant 0 : i32
        %dma_start3A_189 = tpu.memref_slice %arg15[%add3A_182, %dma_start3A_188] : memref<128x128xf32, #tpu.memory_space<vmem>> -> memref<1x128xf32, #tpu.memory_space<vmem>>
        %dma_start3A_190 = tpu.memref_squeeze %dma_start3A_189 : memref<1x128xf32, #tpu.memory_space<vmem>> -> memref<128xf32, #tpu.memory_space<vmem>>
        %dma_start3A_191 = arith.constant 0 : i32
        %dma_start3A_192 = tpu.memref_slice %arg7[%add3A_187, %dma_start3A_191] : memref<4096x128xf32, #tpu.memory_space<hbm>> -> memref<1x128xf32, #tpu.memory_space<hbm>>
        %dma_start3A_193 = tpu.memref_squeeze %dma_start3A_192 : memref<1x128xf32, #tpu.memory_space<hbm>> -> memref<128xf32, #tpu.memory_space<hbm>>
        %dma_start3A_194 = arith.constant 0 : i32
        %dma_start3A_195 = tpu.memref_slice %arg7[%add3A_187, %dma_start3A_194] : memref<4096x128xf32, #tpu.memory_space<hbm>> -> memref<1x128xf32, #tpu.memory_space<hbm>>
        %dma_start3A_196 = tpu.memref_squeeze %dma_start3A_195 : memref<1x128xf32, #tpu.memory_space<hbm>> -> memref<128xf32, #tpu.memory_space<hbm>>
        %dma_start3A_197 = arith.constant 0 : i32
        %dma_start3A_198 = tpu.memref_slice %arg15[%add3A_182, %dma_start3A_197] : memref<128x128xf32, #tpu.memory_space<vmem>> -> memref<1x128xf32, #tpu.memory_space<vmem>>
        %dma_start3A_199 = tpu.memref_squeeze %dma_start3A_198 : memref<1x128xf32, #tpu.memory_space<vmem>> -> memref<128xf32, #tpu.memory_space<vmem>>
        tpu.enqueue_dma source(%dma_start3A_199 : memref<128xf32, #tpu.memory_space<vmem>>) target(%dma_start3A_196 : memref<128xf32, #tpu.memory_space<hbm>>) target_semaphore(%arg20 : memref<!tpu.dma_semaphore, #tpu.memory_space<semaphore_mem>>)
      } else {
      }
      %slice3A_130 = vector.extract_strided_slice %get3A_69 {offsets = [9], sizes = [1], strides = [1]} : vector<16xi32> to vector<1xi32>
      %squeeze3A_131 = vector.extract %slice3A_130[0] : i32 from vector<1xi32>
      %ge3A_132 = arith.constant 0 : i32
      %ge3A_133 = arith.cmpi sge, %squeeze3A_131, %ge3A_132 : i32
      %convert_element_type3A_134 = arith.extui %ge3A_133 : i1 to i32
      %cond3A_135 = arith.constant 0 : i32
      %cond3A_136 = arith.cmpi ne, %convert_element_type3A_134, %cond3A_135 : i32
      scf.if %cond3A_136 {
        %mul3A_179 = arith.constant 16 : i32
        %mul3A_180 = arith.muli %scan3A_66, %mul3A_179 : i32
        %add3A_181 = arith.constant 9 : i32
        %add3A_182 = arith.addi %mul3A_180, %add3A_181 : i32
        %mul3A_183 = arith.constant 16 : i32
        %mul3A_184 = arith.muli %scan3A_66, %mul3A_183 : i32
        %add3A_185 = arith.addi %mul3A_2, %mul3A_184 : i32
        %add3A_186 = arith.constant 9 : i32
        %add3A_187 = arith.addi %add3A_185, %add3A_186 : i32
        %dma_start3A_188 = arith.constant 0 : i32
        %dma_start3A_189 = tpu.memref_slice %arg15[%add3A_182, %dma_start3A_188] : memref<128x128xf32, #tpu.memory_space<vmem>> -> memref<1x128xf32, #tpu.memory_space<vmem>>
        %dma_start3A_190 = tpu.memref_squeeze %dma_start3A_189 : memref<1x128xf32, #tpu.memory_space<vmem>> -> memref<128xf32, #tpu.memory_space<vmem>>
        %dma_start3A_191 = arith.constant 0 : i32
        %dma_start3A_192 = tpu.memref_slice %arg7[%add3A_187, %dma_start3A_191] : memref<4096x128xf32, #tpu.memory_space<hbm>> -> memref<1x128xf32, #tpu.memory_space<hbm>>
        %dma_start3A_193 = tpu.memref_squeeze %dma_start3A_192 : memref<1x128xf32, #tpu.memory_space<hbm>> -> memref<128xf32, #tpu.memory_space<hbm>>
        %dma_start3A_194 = arith.constant 0 : i32
        %dma_start3A_195 = tpu.memref_slice %arg7[%add3A_187, %dma_start3A_194] : memref<4096x128xf32, #tpu.memory_space<hbm>> -> memref<1x128xf32, #tpu.memory_space<hbm>>
        %dma_start3A_196 = tpu.memref_squeeze %dma_start3A_195 : memref<1x128xf32, #tpu.memory_space<hbm>> -> memref<128xf32, #tpu.memory_space<hbm>>
        %dma_start3A_197 = arith.constant 0 : i32
        %dma_start3A_198 = tpu.memref_slice %arg15[%add3A_182, %dma_start3A_197] : memref<128x128xf32, #tpu.memory_space<vmem>> -> memref<1x128xf32, #tpu.memory_space<vmem>>
        %dma_start3A_199 = tpu.memref_squeeze %dma_start3A_198 : memref<1x128xf32, #tpu.memory_space<vmem>> -> memref<128xf32, #tpu.memory_space<vmem>>
        tpu.enqueue_dma source(%dma_start3A_199 : memref<128xf32, #tpu.memory_space<vmem>>) target(%dma_start3A_196 : memref<128xf32, #tpu.memory_space<hbm>>) target_semaphore(%arg20 : memref<!tpu.dma_semaphore, #tpu.memory_space<semaphore_mem>>)
      } else {
      }
      %slice3A_137 = vector.extract_strided_slice %get3A_69 {offsets = [10], sizes = [1], strides = [1]} : vector<16xi32> to vector<1xi32>
      %squeeze3A_138 = vector.extract %slice3A_137[0] : i32 from vector<1xi32>
      %ge3A_139 = arith.constant 0 : i32
      %ge3A_140 = arith.cmpi sge, %squeeze3A_138, %ge3A_139 : i32
      %convert_element_type3A_141 = arith.extui %ge3A_140 : i1 to i32
      %cond3A_142 = arith.constant 0 : i32
      %cond3A_143 = arith.cmpi ne, %convert_element_type3A_141, %cond3A_142 : i32
      scf.if %cond3A_143 {
        %mul3A_179 = arith.constant 16 : i32
        %mul3A_180 = arith.muli %scan3A_66, %mul3A_179 : i32
        %add3A_181 = arith.constant 10 : i32
        %add3A_182 = arith.addi %mul3A_180, %add3A_181 : i32
        %mul3A_183 = arith.constant 16 : i32
        %mul3A_184 = arith.muli %scan3A_66, %mul3A_183 : i32
        %add3A_185 = arith.addi %mul3A_2, %mul3A_184 : i32
        %add3A_186 = arith.constant 10 : i32
        %add3A_187 = arith.addi %add3A_185, %add3A_186 : i32
        %dma_start3A_188 = arith.constant 0 : i32
        %dma_start3A_189 = tpu.memref_slice %arg15[%add3A_182, %dma_start3A_188] : memref<128x128xf32, #tpu.memory_space<vmem>> -> memref<1x128xf32, #tpu.memory_space<vmem>>
        %dma_start3A_190 = tpu.memref_squeeze %dma_start3A_189 : memref<1x128xf32, #tpu.memory_space<vmem>> -> memref<128xf32, #tpu.memory_space<vmem>>
        %dma_start3A_191 = arith.constant 0 : i32
        %dma_start3A_192 = tpu.memref_slice %arg7[%add3A_187, %dma_start3A_191] : memref<4096x128xf32, #tpu.memory_space<hbm>> -> memref<1x128xf32, #tpu.memory_space<hbm>>
        %dma_start3A_193 = tpu.memref_squeeze %dma_start3A_192 : memref<1x128xf32, #tpu.memory_space<hbm>> -> memref<128xf32, #tpu.memory_space<hbm>>
        %dma_start3A_194 = arith.constant 0 : i32
        %dma_start3A_195 = tpu.memref_slice %arg7[%add3A_187, %dma_start3A_194] : memref<4096x128xf32, #tpu.memory_space<hbm>> -> memref<1x128xf32, #tpu.memory_space<hbm>>
        %dma_start3A_196 = tpu.memref_squeeze %dma_start3A_195 : memref<1x128xf32, #tpu.memory_space<hbm>> -> memref<128xf32, #tpu.memory_space<hbm>>
        %dma_start3A_197 = arith.constant 0 : i32
        %dma_start3A_198 = tpu.memref_slice %arg15[%add3A_182, %dma_start3A_197] : memref<128x128xf32, #tpu.memory_space<vmem>> -> memref<1x128xf32, #tpu.memory_space<vmem>>
        %dma_start3A_199 = tpu.memref_squeeze %dma_start3A_198 : memref<1x128xf32, #tpu.memory_space<vmem>> -> memref<128xf32, #tpu.memory_space<vmem>>
        tpu.enqueue_dma source(%dma_start3A_199 : memref<128xf32, #tpu.memory_space<vmem>>) target(%dma_start3A_196 : memref<128xf32, #tpu.memory_space<hbm>>) target_semaphore(%arg20 : memref<!tpu.dma_semaphore, #tpu.memory_space<semaphore_mem>>)
      } else {
      }
      %slice3A_144 = vector.extract_strided_slice %get3A_69 {offsets = [11], sizes = [1], strides = [1]} : vector<16xi32> to vector<1xi32>
      %squeeze3A_145 = vector.extract %slice3A_144[0] : i32 from vector<1xi32>
      %ge3A_146 = arith.constant 0 : i32
      %ge3A_147 = arith.cmpi sge, %squeeze3A_145, %ge3A_146 : i32
      %convert_element_type3A_148 = arith.extui %ge3A_147 : i1 to i32
      %cond3A_149 = arith.constant 0 : i32
      %cond3A_150 = arith.cmpi ne, %convert_element_type3A_148, %cond3A_149 : i32
      scf.if %cond3A_150 {
        %mul3A_179 = arith.constant 16 : i32
        %mul3A_180 = arith.muli %scan3A_66, %mul3A_179 : i32
        %add3A_181 = arith.constant 11 : i32
        %add3A_182 = arith.addi %mul3A_180, %add3A_181 : i32
        %mul3A_183 = arith.constant 16 : i32
        %mul3A_184 = arith.muli %scan3A_66, %mul3A_183 : i32
        %add3A_185 = arith.addi %mul3A_2, %mul3A_184 : i32
        %add3A_186 = arith.constant 11 : i32
        %add3A_187 = arith.addi %add3A_185, %add3A_186 : i32
        %dma_start3A_188 = arith.constant 0 : i32
        %dma_start3A_189 = tpu.memref_slice %arg15[%add3A_182, %dma_start3A_188] : memref<128x128xf32, #tpu.memory_space<vmem>> -> memref<1x128xf32, #tpu.memory_space<vmem>>
        %dma_start3A_190 = tpu.memref_squeeze %dma_start3A_189 : memref<1x128xf32, #tpu.memory_space<vmem>> -> memref<128xf32, #tpu.memory_space<vmem>>
        %dma_start3A_191 = arith.constant 0 : i32
        %dma_start3A_192 = tpu.memref_slice %arg7[%add3A_187, %dma_start3A_191] : memref<4096x128xf32, #tpu.memory_space<hbm>> -> memref<1x128xf32, #tpu.memory_space<hbm>>
        %dma_start3A_193 = tpu.memref_squeeze %dma_start3A_192 : memref<1x128xf32, #tpu.memory_space<hbm>> -> memref<128xf32, #tpu.memory_space<hbm>>
        %dma_start3A_194 = arith.constant 0 : i32
        %dma_start3A_195 = tpu.memref_slice %arg7[%add3A_187, %dma_start3A_194] : memref<4096x128xf32, #tpu.memory_space<hbm>> -> memref<1x128xf32, #tpu.memory_space<hbm>>
        %dma_start3A_196 = tpu.memref_squeeze %dma_start3A_195 : memref<1x128xf32, #tpu.memory_space<hbm>> -> memref<128xf32, #tpu.memory_space<hbm>>
        %dma_start3A_197 = arith.constant 0 : i32
        %dma_start3A_198 = tpu.memref_slice %arg15[%add3A_182, %dma_start3A_197] : memref<128x128xf32, #tpu.memory_space<vmem>> -> memref<1x128xf32, #tpu.memory_space<vmem>>
        %dma_start3A_199 = tpu.memref_squeeze %dma_start3A_198 : memref<1x128xf32, #tpu.memory_space<vmem>> -> memref<128xf32, #tpu.memory_space<vmem>>
        tpu.enqueue_dma source(%dma_start3A_199 : memref<128xf32, #tpu.memory_space<vmem>>) target(%dma_start3A_196 : memref<128xf32, #tpu.memory_space<hbm>>) target_semaphore(%arg20 : memref<!tpu.dma_semaphore, #tpu.memory_space<semaphore_mem>>)
      } else {
      }
      %slice3A_151 = vector.extract_strided_slice %get3A_69 {offsets = [12], sizes = [1], strides = [1]} : vector<16xi32> to vector<1xi32>
      %squeeze3A_152 = vector.extract %slice3A_151[0] : i32 from vector<1xi32>
      %ge3A_153 = arith.constant 0 : i32
      %ge3A_154 = arith.cmpi sge, %squeeze3A_152, %ge3A_153 : i32
      %convert_element_type3A_155 = arith.extui %ge3A_154 : i1 to i32
      %cond3A_156 = arith.constant 0 : i32
      %cond3A_157 = arith.cmpi ne, %convert_element_type3A_155, %cond3A_156 : i32
      scf.if %cond3A_157 {
        %mul3A_179 = arith.constant 16 : i32
        %mul3A_180 = arith.muli %scan3A_66, %mul3A_179 : i32
        %add3A_181 = arith.constant 12 : i32
        %add3A_182 = arith.addi %mul3A_180, %add3A_181 : i32
        %mul3A_183 = arith.constant 16 : i32
        %mul3A_184 = arith.muli %scan3A_66, %mul3A_183 : i32
        %add3A_185 = arith.addi %mul3A_2, %mul3A_184 : i32
        %add3A_186 = arith.constant 12 : i32
        %add3A_187 = arith.addi %add3A_185, %add3A_186 : i32
        %dma_start3A_188 = arith.constant 0 : i32
        %dma_start3A_189 = tpu.memref_slice %arg15[%add3A_182, %dma_start3A_188] : memref<128x128xf32, #tpu.memory_space<vmem>> -> memref<1x128xf32, #tpu.memory_space<vmem>>
        %dma_start3A_190 = tpu.memref_squeeze %dma_start3A_189 : memref<1x128xf32, #tpu.memory_space<vmem>> -> memref<128xf32, #tpu.memory_space<vmem>>
        %dma_start3A_191 = arith.constant 0 : i32
        %dma_start3A_192 = tpu.memref_slice %arg7[%add3A_187, %dma_start3A_191] : memref<4096x128xf32, #tpu.memory_space<hbm>> -> memref<1x128xf32, #tpu.memory_space<hbm>>
        %dma_start3A_193 = tpu.memref_squeeze %dma_start3A_192 : memref<1x128xf32, #tpu.memory_space<hbm>> -> memref<128xf32, #tpu.memory_space<hbm>>
        %dma_start3A_194 = arith.constant 0 : i32
        %dma_start3A_195 = tpu.memref_slice %arg7[%add3A_187, %dma_start3A_194] : memref<4096x128xf32, #tpu.memory_space<hbm>> -> memref<1x128xf32, #tpu.memory_space<hbm>>
        %dma_start3A_196 = tpu.memref_squeeze %dma_start3A_195 : memref<1x128xf32, #tpu.memory_space<hbm>> -> memref<128xf32, #tpu.memory_space<hbm>>
        %dma_start3A_197 = arith.constant 0 : i32
        %dma_start3A_198 = tpu.memref_slice %arg15[%add3A_182, %dma_start3A_197] : memref<128x128xf32, #tpu.memory_space<vmem>> -> memref<1x128xf32, #tpu.memory_space<vmem>>
        %dma_start3A_199 = tpu.memref_squeeze %dma_start3A_198 : memref<1x128xf32, #tpu.memory_space<vmem>> -> memref<128xf32, #tpu.memory_space<vmem>>
        tpu.enqueue_dma source(%dma_start3A_199 : memref<128xf32, #tpu.memory_space<vmem>>) target(%dma_start3A_196 : memref<128xf32, #tpu.memory_space<hbm>>) target_semaphore(%arg20 : memref<!tpu.dma_semaphore, #tpu.memory_space<semaphore_mem>>)
      } else {
      }
      %slice3A_158 = vector.extract_strided_slice %get3A_69 {offsets = [13], sizes = [1], strides = [1]} : vector<16xi32> to vector<1xi32>
      %squeeze3A_159 = vector.extract %slice3A_158[0] : i32 from vector<1xi32>
      %ge3A_160 = arith.constant 0 : i32
      %ge3A_161 = arith.cmpi sge, %squeeze3A_159, %ge3A_160 : i32
      %convert_element_type3A_162 = arith.extui %ge3A_161 : i1 to i32
      %cond3A_163 = arith.constant 0 : i32
      %cond3A_164 = arith.cmpi ne, %convert_element_type3A_162, %cond3A_163 : i32
      scf.if %cond3A_164 {
        %mul3A_179 = arith.constant 16 : i32
        %mul3A_180 = arith.muli %scan3A_66, %mul3A_179 : i32
        %add3A_181 = arith.constant 13 : i32
        %add3A_182 = arith.addi %mul3A_180, %add3A_181 : i32
        %mul3A_183 = arith.constant 16 : i32
        %mul3A_184 = arith.muli %scan3A_66, %mul3A_183 : i32
        %add3A_185 = arith.addi %mul3A_2, %mul3A_184 : i32
        %add3A_186 = arith.constant 13 : i32
        %add3A_187 = arith.addi %add3A_185, %add3A_186 : i32
        %dma_start3A_188 = arith.constant 0 : i32
        %dma_start3A_189 = tpu.memref_slice %arg15[%add3A_182, %dma_start3A_188] : memref<128x128xf32, #tpu.memory_space<vmem>> -> memref<1x128xf32, #tpu.memory_space<vmem>>
        %dma_start3A_190 = tpu.memref_squeeze %dma_start3A_189 : memref<1x128xf32, #tpu.memory_space<vmem>> -> memref<128xf32, #tpu.memory_space<vmem>>
        %dma_start3A_191 = arith.constant 0 : i32
        %dma_start3A_192 = tpu.memref_slice %arg7[%add3A_187, %dma_start3A_191] : memref<4096x128xf32, #tpu.memory_space<hbm>> -> memref<1x128xf32, #tpu.memory_space<hbm>>
        %dma_start3A_193 = tpu.memref_squeeze %dma_start3A_192 : memref<1x128xf32, #tpu.memory_space<hbm>> -> memref<128xf32, #tpu.memory_space<hbm>>
        %dma_start3A_194 = arith.constant 0 : i32
        %dma_start3A_195 = tpu.memref_slice %arg7[%add3A_187, %dma_start3A_194] : memref<4096x128xf32, #tpu.memory_space<hbm>> -> memref<1x128xf32, #tpu.memory_space<hbm>>
        %dma_start3A_196 = tpu.memref_squeeze %dma_start3A_195 : memref<1x128xf32, #tpu.memory_space<hbm>> -> memref<128xf32, #tpu.memory_space<hbm>>
        %dma_start3A_197 = arith.constant 0 : i32
        %dma_start3A_198 = tpu.memref_slice %arg15[%add3A_182, %dma_start3A_197] : memref<128x128xf32, #tpu.memory_space<vmem>> -> memref<1x128xf32, #tpu.memory_space<vmem>>
        %dma_start3A_199 = tpu.memref_squeeze %dma_start3A_198 : memref<1x128xf32, #tpu.memory_space<vmem>> -> memref<128xf32, #tpu.memory_space<vmem>>
        tpu.enqueue_dma source(%dma_start3A_199 : memref<128xf32, #tpu.memory_space<vmem>>) target(%dma_start3A_196 : memref<128xf32, #tpu.memory_space<hbm>>) target_semaphore(%arg20 : memref<!tpu.dma_semaphore, #tpu.memory_space<semaphore_mem>>)
      } else {
      }
      %slice3A_165 = vector.extract_strided_slice %get3A_69 {offsets = [14], sizes = [1], strides = [1]} : vector<16xi32> to vector<1xi32>
      %squeeze3A_166 = vector.extract %slice3A_165[0] : i32 from vector<1xi32>
      %ge3A_167 = arith.constant 0 : i32
      %ge3A_168 = arith.cmpi sge, %squeeze3A_166, %ge3A_167 : i32
      %convert_element_type3A_169 = arith.extui %ge3A_168 : i1 to i32
      %cond3A_170 = arith.constant 0 : i32
      %cond3A_171 = arith.cmpi ne, %convert_element_type3A_169, %cond3A_170 : i32
      scf.if %cond3A_171 {
        %mul3A_179 = arith.constant 16 : i32
        %mul3A_180 = arith.muli %scan3A_66, %mul3A_179 : i32
        %add3A_181 = arith.constant 14 : i32
        %add3A_182 = arith.addi %mul3A_180, %add3A_181 : i32
        %mul3A_183 = arith.constant 16 : i32
        %mul3A_184 = arith.muli %scan3A_66, %mul3A_183 : i32
        %add3A_185 = arith.addi %mul3A_2, %mul3A_184 : i32
        %add3A_186 = arith.constant 14 : i32
        %add3A_187 = arith.addi %add3A_185, %add3A_186 : i32
        %dma_start3A_188 = arith.constant 0 : i32
        %dma_start3A_189 = tpu.memref_slice %arg15[%add3A_182, %dma_start3A_188] : memref<128x128xf32, #tpu.memory_space<vmem>> -> memref<1x128xf32, #tpu.memory_space<vmem>>
        %dma_start3A_190 = tpu.memref_squeeze %dma_start3A_189 : memref<1x128xf32, #tpu.memory_space<vmem>> -> memref<128xf32, #tpu.memory_space<vmem>>
        %dma_start3A_191 = arith.constant 0 : i32
        %dma_start3A_192 = tpu.memref_slice %arg7[%add3A_187, %dma_start3A_191] : memref<4096x128xf32, #tpu.memory_space<hbm>> -> memref<1x128xf32, #tpu.memory_space<hbm>>
        %dma_start3A_193 = tpu.memref_squeeze %dma_start3A_192 : memref<1x128xf32, #tpu.memory_space<hbm>> -> memref<128xf32, #tpu.memory_space<hbm>>
        %dma_start3A_194 = arith.constant 0 : i32
        %dma_start3A_195 = tpu.memref_slice %arg7[%add3A_187, %dma_start3A_194] : memref<4096x128xf32, #tpu.memory_space<hbm>> -> memref<1x128xf32, #tpu.memory_space<hbm>>
        %dma_start3A_196 = tpu.memref_squeeze %dma_start3A_195 : memref<1x128xf32, #tpu.memory_space<hbm>> -> memref<128xf32, #tpu.memory_space<hbm>>
        %dma_start3A_197 = arith.constant 0 : i32
        %dma_start3A_198 = tpu.memref_slice %arg15[%add3A_182, %dma_start3A_197] : memref<128x128xf32, #tpu.memory_space<vmem>> -> memref<1x128xf32, #tpu.memory_space<vmem>>
        %dma_start3A_199 = tpu.memref_squeeze %dma_start3A_198 : memref<1x128xf32, #tpu.memory_space<vmem>> -> memref<128xf32, #tpu.memory_space<vmem>>
        tpu.enqueue_dma source(%dma_start3A_199 : memref<128xf32, #tpu.memory_space<vmem>>) target(%dma_start3A_196 : memref<128xf32, #tpu.memory_space<hbm>>) target_semaphore(%arg20 : memref<!tpu.dma_semaphore, #tpu.memory_space<semaphore_mem>>)
      } else {
      }
      %slice3A_172 = vector.extract_strided_slice %get3A_69 {offsets = [15], sizes = [1], strides = [1]} : vector<16xi32> to vector<1xi32>
      %squeeze3A_173 = vector.extract %slice3A_172[0] : i32 from vector<1xi32>
      %ge3A_174 = arith.constant 0 : i32
      %ge3A_175 = arith.cmpi sge, %squeeze3A_173, %ge3A_174 : i32
      %convert_element_type3A_176 = arith.extui %ge3A_175 : i1 to i32
      %cond3A_177 = arith.constant 0 : i32
      %cond3A_178 = arith.cmpi ne, %convert_element_type3A_176, %cond3A_177 : i32
      scf.if %cond3A_178 {
        %mul3A_179 = arith.constant 16 : i32
        %mul3A_180 = arith.muli %scan3A_66, %mul3A_179 : i32
        %add3A_181 = arith.constant 15 : i32
        %add3A_182 = arith.addi %mul3A_180, %add3A_181 : i32
        %mul3A_183 = arith.constant 16 : i32
        %mul3A_184 = arith.muli %scan3A_66, %mul3A_183 : i32
        %add3A_185 = arith.addi %mul3A_2, %mul3A_184 : i32
        %add3A_186 = arith.constant 15 : i32
        %add3A_187 = arith.addi %add3A_185, %add3A_186 : i32
        %dma_start3A_188 = arith.constant 0 : i32
        %dma_start3A_189 = tpu.memref_slice %arg15[%add3A_182, %dma_start3A_188] : memref<128x128xf32, #tpu.memory_space<vmem>> -> memref<1x128xf32, #tpu.memory_space<vmem>>
        %dma_start3A_190 = tpu.memref_squeeze %dma_start3A_189 : memref<1x128xf32, #tpu.memory_space<vmem>> -> memref<128xf32, #tpu.memory_space<vmem>>
        %dma_start3A_191 = arith.constant 0 : i32
        %dma_start3A_192 = tpu.memref_slice %arg7[%add3A_187, %dma_start3A_191] : memref<4096x128xf32, #tpu.memory_space<hbm>> -> memref<1x128xf32, #tpu.memory_space<hbm>>
        %dma_start3A_193 = tpu.memref_squeeze %dma_start3A_192 : memref<1x128xf32, #tpu.memory_space<hbm>> -> memref<128xf32, #tpu.memory_space<hbm>>
        %dma_start3A_194 = arith.constant 0 : i32
        %dma_start3A_195 = tpu.memref_slice %arg7[%add3A_187, %dma_start3A_194] : memref<4096x128xf32, #tpu.memory_space<hbm>> -> memref<1x128xf32, #tpu.memory_space<hbm>>
        %dma_start3A_196 = tpu.memref_squeeze %dma_start3A_195 : memref<1x128xf32, #tpu.memory_space<hbm>> -> memref<128xf32, #tpu.memory_space<hbm>>
        %dma_start3A_197 = arith.constant 0 : i32
        %dma_start3A_198 = tpu.memref_slice %arg15[%add3A_182, %dma_start3A_197] : memref<128x128xf32, #tpu.memory_space<vmem>> -> memref<1x128xf32, #tpu.memory_space<vmem>>
        %dma_start3A_199 = tpu.memref_squeeze %dma_start3A_198 : memref<1x128xf32, #tpu.memory_space<vmem>> -> memref<128xf32, #tpu.memory_space<vmem>>
        tpu.enqueue_dma source(%dma_start3A_199 : memref<128xf32, #tpu.memory_space<vmem>>) target(%dma_start3A_196 : memref<128xf32, #tpu.memory_space<hbm>>) target_semaphore(%arg20 : memref<!tpu.dma_semaphore, #tpu.memory_space<semaphore_mem>>)
      } else {
      }
    }
    %scan3A_55 = arith.constant 8 : i32
    %while3A_56 = arith.constant 0 : i32
    %while3A_57 = arith.constant 0 : i32
    %while3A_58 = arith.subi %scan3A_39, %while3A_57 : i32
    %while3A_59 = arith.addi %while3A_57, %while3A_58 : i32
    %while3A_60 = arith.constant 1 : i32
    %while3A_61 = arith.divsi %while3A_58, %while3A_60 : i32
    %while3A_62 = arith.muli %while3A_61, %while3A_60 : i32
    %while3A_63 = arith.addi %while3A_57, %while3A_62 : i32
    %while3A_64 = arith.constant 1 : i32
    scf.for %while3A_66 = %while3A_57 to %while3A_63 step %while3A_64  : i32 {
      %dma_wait3A = arith.constant 0 : i32
      %dma_wait3A_67 = arith.constant 0 : i32
      %dma_wait3A_68 = arith.constant 0 : i32
      %dma_wait3A_69 = tpu.memref_slice %arg15[%dma_wait3A_67, %dma_wait3A_68] : memref<128x128xf32, #tpu.memory_space<vmem>> -> memref<1x128xf32, #tpu.memory_space<vmem>>
      %dma_wait3A_70 = tpu.memref_squeeze %dma_wait3A_69 : memref<1x128xf32, #tpu.memory_space<vmem>> -> memref<128xf32, #tpu.memory_space<vmem>>
      %dma_wait3A_71 = arith.constant 0 : i32
      %dma_wait3A_72 = tpu.memref_slice %arg4[%dma_wait3A, %dma_wait3A_71] : memref<4096x128xf32, #tpu.memory_space<hbm>> -> memref<1x128xf32, #tpu.memory_space<hbm>>
      %dma_wait3A_73 = tpu.memref_squeeze %dma_wait3A_72 : memref<1x128xf32, #tpu.memory_space<hbm>> -> memref<128xf32, #tpu.memory_space<hbm>>
      %dma_wait3A_74 = arith.constant 0 : i32
      %dma_wait3A_75 = tpu.memref_slice %arg15[%dma_wait3A_67, %dma_wait3A_74] : memref<128x128xf32, #tpu.memory_space<vmem>> -> memref<1x128xf32, #tpu.memory_space<vmem>>
      %dma_wait3A_76 = tpu.memref_squeeze %dma_wait3A_75 : memref<1x128xf32, #tpu.memory_space<vmem>> -> memref<128xf32, #tpu.memory_space<vmem>>
      %dma_wait3A_77 = arith.constant 0 : i32
      %dma_wait3A_78 = tpu.memref_slice %arg4[%dma_wait3A, %dma_wait3A_77] : memref<4096x128xf32, #tpu.memory_space<hbm>> -> memref<1x128xf32, #tpu.memory_space<hbm>>
      %dma_wait3A_79 = tpu.memref_squeeze %dma_wait3A_78 : memref<1x128xf32, #tpu.memory_space<hbm>> -> memref<128xf32, #tpu.memory_space<hbm>>
      tpu.wait_dma2 semaphore(%arg20 : memref<!tpu.dma_semaphore, #tpu.memory_space<semaphore_mem>>) src(%dma_wait3A_79 : memref<128xf32, #tpu.memory_space<hbm>>) dst(%dma_wait3A_76 : memref<128xf32, #tpu.memory_space<vmem>>)
    }
    %while3A_65 = arith.constant 1 : i32
    scf.for %while3A_66 = %while3A_63 to %while3A_59 step %while3A_65  : i32 {
      %dma_wait3A = arith.constant 0 : i32
      %dma_wait3A_67 = arith.constant 0 : i32
      %dma_wait3A_68 = arith.constant 0 : i32
      %dma_wait3A_69 = tpu.memref_slice %arg15[%dma_wait3A_67, %dma_wait3A_68] : memref<128x128xf32, #tpu.memory_space<vmem>> -> memref<1x128xf32, #tpu.memory_space<vmem>>
      %dma_wait3A_70 = tpu.memref_squeeze %dma_wait3A_69 : memref<1x128xf32, #tpu.memory_space<vmem>> -> memref<128xf32, #tpu.memory_space<vmem>>
      %dma_wait3A_71 = arith.constant 0 : i32
      %dma_wait3A_72 = tpu.memref_slice %arg4[%dma_wait3A, %dma_wait3A_71] : memref<4096x128xf32, #tpu.memory_space<hbm>> -> memref<1x128xf32, #tpu.memory_space<hbm>>
      %dma_wait3A_73 = tpu.memref_squeeze %dma_wait3A_72 : memref<1x128xf32, #tpu.memory_space<hbm>> -> memref<128xf32, #tpu.memory_space<hbm>>
      %dma_wait3A_74 = arith.constant 0 : i32
      %dma_wait3A_75 = tpu.memref_slice %arg15[%dma_wait3A_67, %dma_wait3A_74] : memref<128x128xf32, #tpu.memory_space<vmem>> -> memref<1x128xf32, #tpu.memory_space<vmem>>
      %dma_wait3A_76 = tpu.memref_squeeze %dma_wait3A_75 : memref<1x128xf32, #tpu.memory_space<vmem>> -> memref<128xf32, #tpu.memory_space<vmem>>
      %dma_wait3A_77 = arith.constant 0 : i32
      %dma_wait3A_78 = tpu.memref_slice %arg4[%dma_wait3A, %dma_wait3A_77] : memref<4096x128xf32, #tpu.memory_space<hbm>> -> memref<1x128xf32, #tpu.memory_space<hbm>>
      %dma_wait3A_79 = tpu.memref_squeeze %dma_wait3A_78 : memref<1x128xf32, #tpu.memory_space<hbm>> -> memref<128xf32, #tpu.memory_space<hbm>>
      tpu.wait_dma2 semaphore(%arg20 : memref<!tpu.dma_semaphore, #tpu.memory_space<semaphore_mem>>) src(%dma_wait3A_79 : memref<128xf32, #tpu.memory_space<hbm>>) dst(%dma_wait3A_76 : memref<128xf32, #tpu.memory_space<vmem>>)
    }
    return
  }
}

</mosaic_0001>

<sc_bundles>
// kernel: kernel.3.cloned.1.call-start
scs
__scs_entry_jumppad:
0x0: {  	(pc) =	sbr.rel $0x88, $3  }
0x1: {  	(tag) =	ssettag $0x0;
	lr =	simm.s32 $0x1  }
0x2: {  	[smem:$0x3F9D] =	sst lr;
	_ =	strace $0xD0000000  }
0x3: {  	_ = 	snop  }
0x4: {  	_ = 	snop  }
0x5: {  	_ = 	snop  }
0x6: {  	_ = 	snop  }
0x7: {  	_ = 	snop  }
__scs_overlays_trampoline_lowered:
0x8: {  	[smem:$0x3FAC] =	sst s0  }
0x9: {  	[smem:$0x3FAD] =	sst s1  }
0xa: {  	[smem:$0x3FAE] =	sst s2  }
0xb: {  	[smem:$0x3FAF] =	sst s3  }
0xc: {  	[smem:$0x3FB0] =	sst s4  }
0xd: {  	[smem:$0x3FB1] =	sst s5  }
0xe: {  	[smem:$0x3FB2] =	sst s6  }
0xf: {  	[smem:$0x3FB3] =	sst s7  }
0x10: {  	[smem:$0x3FB4] =	sst s8  }
0x11: {  	[smem:$0x3FB5] =	sst s9;
	s0 =	simm.s32 @!p0 $0x0  }
0x12: {  	s1 =	sld [smem:$0x3F9B];
	s0 =	simm.s32 @p0 $0x1  }
0x13: {  	[smem:$0x3FB6] =	sst s0;
	s0 =	simm.s32 @!p1 $0x0  }
0x14: {  	s2 =	sld [smem:$0x3F9A];
	s0 =	simm.s32 @p1 $0x1  }
0x15: {  	[smem:$0x3FB7] =	sst s0;
	s0 =	simm.s32 @!p2 $0x0  }
0x16: {  	s3 =	sld [smem:$0x3FDB];
	s0 =	simm.s32 @p2 $0x1  }
0x17: {  	s4 =	simm.s32 $0x1BF5;
	[smem:$0x3FB9] =	sst s0  }
0x18: {  	s0 =	sld [smem:$0x3F9C];
	_ =	swait.ge [sflag:s4], $0x0  }
0x19: {  	s7 =	sld [smem:$0x3F9D]  }
0x1a: {  	s8 =	sadd.s32 $0xFFFFE003, lr  }
0x1b: {  	s9 =	sadd.s32 $0xFFFFFEF7, lr;
	s5 =	simm.s32 $0xFFFFFFFF;
	p2 =	slt.u32 s8, $0xFFFFF086  }
0x1c: {  	p1 =	slt.u32 s9, $0xF7A;
	s5 =	simm.s32 @!p2 $0x0  }
0x1d: {  	s5 =	simm.s32 @p1 $0x1;
	p0 =	seq.s32 s7, s2  }
0x1e: {  	s7 =	smul.u32 @!p0 $0xF7A, s2;
	p2 =	seq.s32 @!p0 s5, $0x0  }
0x1f: {  	s9 =	smul.u32 $0xF7A, s1;
	s8 =	simm.s32 @!p0 $0x1BF5;
	p2 =	por !p2, p0  }
0x20: {  	[sflag:s8] =	ssyncset.s32 @!p0 $0xFFFFF086;
	s6 =	sadd.s32 @!p0 s3, s7;
	s7 =	simm.s32 @!p0 $0x108  }
0x21: {  	s3 =	sadd.s32 s3, s9;
	s6 =	sadd.s32 @!p0 $0x88, s6;
	s7 =	simm.s32 @p2 $0x1082  }
0x22: {  	[simem:s7], [sflag:s8] =	dma.local @!p0 [hbm:s6], $0xF7A  }
0x23: {  	s9 =	sor.u32 $0xD0000000, s2;
	s6 =	simm.s32 $0x108;
	_ =	swait.ge @!p0 [sflag:s8], $0x0  }
0x24: {  	s3 =	sadd.s32 $0x88, s3;
	s6 =	simm.s32 @!p1 $0x1082;
	[sflag:s4] =	ssyncset.s32 $0xFFFFF086  }
0x25: {  	[simem:s6], [sflag:s4] =	dma.local [hbm:s3], $0xF7A  }
0x26: {  	[smem:$0x3F9D] =	sst s1;
	(tag) =	ssettag s2;
	_ =	strace s9  }
0x27: {  	s1 =	sld [smem:$0x3FAD]  }
0x28: {  	s2 =	sld [smem:$0x3FAE]  }
0x29: {  	s4 =	sld [smem:$0x3FB0]  }
0x2a: {  	p0 =	seq.s32 s5, $0x0;
	s5 =	sld [smem:$0x3FB1]  }
0x2b: {  	s6 =	sld [smem:$0x3FB2]  }
0x2c: {  	s7 =	sld [smem:$0x3FB3]  }
0x2d: {  	s3 =	simm.s32 $0x108;
	s8 =	sld [smem:$0x3FB4]  }
0x2e: {  	s3 =	simm.s32 @!p0 $0x1082;
	s9 =	sld [smem:$0x3FB5]  }
0x2f: {  	lr =	sadd.s32 s0, s3;
	s0 =	sld [smem:$0x3FAC]  }
0x30: {  	s3 =	sld [smem:$0x3FAF]  }
0x31: {  	[smem:$0x3FB8] =	sst s10  }
0x32: {  	s10 =	sld [smem:$0x3FB6];
	_ =	sdelay $0x3  }
0x33: {  	p0 =	seq.s32 s10, $0x1;
	s10 =	sld [smem:$0x3FB8];
	_ =	sdelay $0x3  }
0x34: {  	[smem:$0x3FB8] =	sst s10  }
0x35: {  	s10 =	sld [smem:$0x3FB7];
	_ =	sdelay $0x3  }
0x36: {  	p1 =	seq.s32 s10, $0x1;
	s10 =	sld [smem:$0x3FB8];
	_ =	sdelay $0x3  }
0x37: {  	[smem:$0x3FB8] =	sst s10  }
0x38: {  	s10 =	sld [smem:$0x3FB9]  }
0x39: {  	_ = 	snop;
	(pc) =	sbr.ind lr, $3  }
0x3a: {  	_ = 	snop  }
0x3b: {  	_ = 	snop  }
0x3c: {  	p2 =	seq.s32 s10, $0x1;
	s10 =	sld [smem:$0x3FB8]  }
0x3d: {  	_ =	shalt  }
0x3e: {  	_ =	shalt  }
0x3f: {  	_ =	shalt  }
0x40: {  	_ =	shalt  }
0x41: {  	_ =	shalt  }
0x42: {  	_ =	shalt  }
0x43: {  	_ =	shalt  }
0x44: {  	_ =	shalt  }
0x45: {  	_ =	shalt  }
0x46: {  	_ =	shalt  }
0x47: {  	_ =	shalt  }
0x48: {  	_ =	shalt  }
0x49: {  	_ =	shalt  }
0x4a: {  	_ =	shalt  }
0x4b: {  	_ =	shalt  }
0x4c: {  	_ =	shalt  }
0x4d: {  	_ =	shalt  }
0x4e: {  	_ =	shalt  }
0x4f: {  	_ =	shalt  }
0x50: {  	_ =	shalt  }
0x51: {  	_ =	shalt  }
0x52: {  	_ =	shalt  }
0x53: {  	_ =	shalt  }
0x54: {  	_ =	shalt  }
0x55: {  	_ =	shalt  }
0x56: {  	_ =	shalt  }
0x57: {  	_ =	shalt  }
0x58: {  	_ =	shalt  }
0x59: {  	_ =	shalt  }
0x5a: {  	_ =	shalt  }
0x5b: {  	_ =	shalt  }
0x5c: {  	_ =	shalt  }
0x5d: {  	_ =	shalt  }
0x5e: {  	_ =	shalt  }
0x5f: {  	_ =	shalt  }
0x60: {  	_ =	shalt  }
0x61: {  	_ =	shalt  }
0x62: {  	_ =	shalt  }
0x63: {  	_ =	shalt  }
0x64: {  	_ =	shalt  }
0x65: {  	_ =	shalt  }
0x66: {  	_ =	shalt  }
0x67: {  	_ =	shalt  }
0x68: {  	_ =	shalt  }
0x69: {  	_ =	shalt  }
0x6a: {  	_ =	shalt  }
0x6b: {  	_ =	shalt  }
0x6c: {  	_ =	shalt  }
0x6d: {  	_ =	shalt  }
0x6e: {  	_ =	shalt  }
0x6f: {  	_ =	shalt  }
0x70: {  	_ =	shalt  }
0x71: {  	_ =	shalt  }
0x72: {  	_ =	shalt  }
0x73: {  	_ =	shalt  }
0x74: {  	_ =	shalt  }
0x75: {  	_ =	shalt  }
0x76: {  	_ =	shalt  }
0x77: {  	_ =	shalt  }
0x78: {  	_ =	shalt  }
0x79: {  	_ =	shalt  }
0x7a: {  	_ =	shalt  }
0x7b: {  	_ =	shalt  }
0x7c: {  	_ =	shalt  }
0x7d: {  	_ =	shalt  }
0x7e: {  	_ =	shalt  }
0x7f: {  	_ =	shalt  }
0x80: {  	_ =	shalt  }
0x81: {  	_ =	shalt  }
0x82: {  	_ =	shalt  }
0x83: {  	_ =	shalt  }
0x84: {  	_ =	shalt  }
0x85: {  	_ =	shalt  }
0x86: {  	_ =	shalt  }
0x87: {  	_ =	shalt  }
.Lfunc_end0:
.L_simem_size_0:
called_computation_lowered:
.L_overlay_start_0:
0x88: {  	s2 =	sld [smem:$0x3FD9]  }
0x89: {  	s3 =	sld [smem:$0x3FFE];
	_ =	sdelay $0x1  }
0x8a: {  	s1 =	srdreg.scid  }
0x8b: {  	s0 =	sand.u32 $0x1, s1  }
0x8c: {  	s17 =	sshll.u32 s0, $0xA;
	s2 =	sadd.s32 s3, s2  }
0x8d: {  	s2 =	sadd.s32 s2, s17  }
0x8e: {  	[smem:$0x3FC4] =	sst s2  }
0x8f: {  	_ = 	snop  }
0x90: {  	s2 =	sld [smem:$0x3FC9]  }
0x91: {  	s18 =	sld [smem:$0x3FC8]  }
0x92: {  	s4 =	sld [smem:$0x3FC7]  }
0x93: {  	s5 =	sld [smem:$0x3FC6]  }
0x94: {  	s6 =	sld [smem:$0x3FD0];
	(tm) =	ssettm $0x1  }
0x95: {  	s7 =	sld [smem:$0x3FFB];
	_ =	sdelay $0x3  }
0x96: {  	_ =	strace s7  }
0x97: {  	s7 =	sld [smem:$0x3FFC];
	_ =	sdelay $0x3  }
0x98: {  	_ =	strace s7  }
0x99: {  	s7 =	sld [smem:$0x3FFD];
	_ =	sdelay $0x3  }
0x9a: {  	_ =	strace s7  }
0x9b: {  	_ =	strace $0x8FFFFFFF  }
0x9c: {  	s19 =	sld [smem:$0x3FDB];
	_ =	sdelay $0x1  }
0x9d: {  	s8 =	simm.s32 $_scs_section_size  }
0x9e: {  	s9 =	simm.s32 $_size__tile_overlayer_lowered;
	s10 =	simm.s32 $_tile_overlayer_lowered  }
0x9f: {  	s22 =	simm.s32 $0x1BFF;
	s21 =	sshll.u32 s10, $0x1;
	s7 =	sadd.s32 s8, s19  }
0xa0: {  	s11 =	simm.s32 $0x0;
	s20 =	sshll.u32 s9, $0x1;
	s9 =	sadd.s32 s21, s7  }
0xa1: {  	[timem:s11], [sflag:s22] =	dma.local [hbm:s9], s20  }
0xa2: {  	_ =	swait.ge [sflag:s22], s20  }
0xa3: {  	s8 =	ssub.s32 $0x0, s20;
	[sflag:s22] =	ssyncset.done $0x0  }
0xa4: {  	[sflag:s22] =	ssyncadd.s32 s8;
	_ =	sdelay $0x1  }
0xa5: {  	s23 =	simm.s32 $0x1B8B  }
0xa6: {  	_ =	swait.ge [sflag:s23], $0x1  }
0xa7: {  	[sflag:s23] =	ssyncset.done $0x0  }
0xa8: {  	s25 =	simm.s32 $0x1B8E;
	s24 =	sld [smem:$0x3FFE];
	[sflag:s23] =	ssyncadd.s32 $0xFFFFFFFF  }
0xa9: {  	s26 =	simm.s32 $execute0_lowered;
	[smem:$0x3FD2] =	sst s25  }
0xaa: {  	s9 =	sshll.u32 s26, $0x1;
	_ =	strace $0x80000046;
	[dreg:$0x1] =	wrdreg $0xFFFFFFFF  }
0xab: {  	s28 =	simm.s32 $_size_execute0_lowered;
	s7 =	sadd.s32 s7, s9;
	[dreg:$0x0] =	wrdreg $0x0  }
0xac: {  	s9 =	sshll.u32 s28, $0x1;
	[dreg:$0x2] =	wrdreg s7  }
0xad: {  	[dreg:$0x3] =	wrdreg s9  }
0xae: {  	[dreg:$0x4] =	wrdreg $0xC0  }
0xaf: {  	_ =	task [dreg:s11], $0x5FFFF  }
0xb0: {  	[dreg:$0x1] =	wrdreg $0xFFFFFFFF  }
0xb1: {  	[dreg:$0x0] =	wrdreg $0x60  }
0xb2: {  	[dreg:$0x2] =	wrdreg s2  }
0xb3: {  	[dreg:$0x3] =	wrdreg s18  }
0xb4: {  	[dreg:$0x4] =	wrdreg s4  }
0xb5: {  	[dreg:$0x5] =	wrdreg s5  }
0xb6: {  	[dreg:$0x6] =	wrdreg s24  }
0xb7: {  	[dreg:$0x7] =	wrdreg s6  }
0xb8: {  	[dreg:$0x8] =	wrdreg $0x1E9800  }
0xb9: {  	[dreg:$0x9] =	wrdreg $0x1EA800  }
0xba: {  	[dreg:$0xa] =	wrdreg $0x9  }
0xbb: {  	_ =	task.clear_ibuf [dreg:s11], $0xBFFFF;
	_ =	strace $0x90000046  }
0xbc: {  	s29 =	simm.s32 $0x9;
	_ =	strace $0x80000048  }
0xbd: {  	_ =	swait.ge [sflag:s29], $0x1  }
0xbe: {  	[sflag:s29] =	ssyncadd.s32 $0xFFFFFFFF  }
0xbf: {  	_ =	strace $0x90000048  }
0xc0: {  	_ =	sfence  }
0xc1: {  	s30 =	sld [smem:$0x0];
	_ =	sdelay $0x2  }
0xc2: {  	s31 =	sshll.u32 s1, $0xD;
	s1 =	sshrl.u32 s1, $0x2  }
0xc3: {  	s3 =	sand.u32 $0x4000, s31;
	s1 =	sadd.s32 s1, s30  }
0xc4: {  	s0 =	sor.u32 s3, s0;
	s1 =	sshll.u32 s1, $0x11  }
0xc5: {  	s0 =	sor.u32 s1, s0  }
0xc6: {  	s0 =	sadd.s32 $0x8F2B, s0  }
0xc7: {  	[sflag:s0] =	ssyncadd.remote.s32 $0x1  }
0xc8: {  	_ =	sfence.sel $0xFFFF  }
0xc9: {  	[dreg:$0x0] =	wrdreg $0xFFFFFFFF;
	(pc) =	sbr.abs _section_cstart, $3  }
0xca: {  	[dreg:$0x1] =	wrdreg $0xFFFFFFFF  }
0xcb: {  	_ =	task.clear_ibuf [dreg:s11], $0x2FFFF;
	_ =	strace $0x9FFFFFFF  }
0xcc: {  	(tm) =	ssettm $0x7FFFFFFF  }
0xcd: {  	_ =	shalt  }
tec
execute0_lowered:
.L_overlay_start_1:
0x0: {  	(tag) =	ssettag $0x1  }
0x1: {  	s0 =	rddreg [dreg:$0x1]  }
0x2: {  	s1 =	rddreg [dreg:$0x2]  }
0x3: {  	s2 =	rddreg [dreg:$0x3]  }
0x4: {  	s3 =	rddreg [dreg:$0x4]  }
0x5: {  	s4 =	rddreg [dreg:$0x5]  }
0x6: {  	s5 =	rddreg [dreg:$0x6]  }
0x7: {  	s12 =	rddreg [dreg:$0x7]  }
0x8: {  	s13 =	simm.s32 $0x0;
	s6 =	srdreg.scid;
	s7 =	stileid.u32  }
0x9: {  	[smem:$0x7FF] =	sst s13;
	s6 =	sand.u32 $0x1, s6;
	s10 =	sshll.u32 s7, $0x7  }
0xa: {  	s3 =	sadd.s32 $0x400, s3;
	s22 =	sshll.u32 s7, $0x5;
	s23 =	sshll.u32 s7, $0x8  }
0xb: {  	s30 =	sshll.u32 s7, $0xB;
	p0 =	sne.s32 s7, $0x0;
	_ =	strace $0x80000047  }
0xc: {  	s8 =	ssub.s32 $0x2, s6;
	s9 =	sshll.u32 s6, $0xB;
	[dreg:$0x9] =	wrdreg s3  }
0xd: {  	s11 =	sshll.u32 s6, $0x8;
	s0 =	sadd.s32 s0, s22;
	s25 =	sadd.s32 s23, s5  }
0xe: {  	s26 =	sshll.u32 s6, $0xF;
	s29 =	sadd.s32 s10, s12;
	[dreg:$0xc] =	wrdreg s0  }
0xf: {  	s31 =	sor.u32 $0x30, s23;
	s20 =	sshrl.u32 s8, $0x1;
	[dreg:$0xd] =	wrdreg s25  }
0x10: {  	s9 =	sor.u32 s10, s9;
	s28 =	sadd.s32 s4, s26;
	[dreg:$0x10] =	wrdreg s29  }
0x11: {  	[dreg:$0x12] =	wrdreg s31;
	s3 =	ssub.s32 s8, s20;
	s24 =	sshll.u32 s9, $0x4  }
0x12: {  	v0 =	vimm.s32 $0xFFEDCBA9;
	v1 =	vimm.s32 $0x87654321;
	s21 =	sshrl.u32 s9, $0x3;
	[dreg:$0xf] =	wrdreg s28;
	s0 =	sadd.s32 s4, s24  }
0x13: {  	v0 =	vunpack.c.l.s4.s8 v0;
	v1 =	vunpack.c.l.s4.s8 v1;
	s8 =	sadd.s32 s2, s21;
	[dreg:$0xe] =	wrdreg s0;
	s0 =	sadd.s32 s30, s28  }
0x14: {  	s2 =	sadd.s32 s2, s11;
	[dreg:$0xa] =	wrdreg s8;
	s0 =	sadd.s32 $0xF0, s0  }
.Ltmp0:
0x15: {  	v0 =	vunpack.c.0.s8.s32 v0;
	v1 =	vunpack.c.0.s8.s32 v1;
	[dreg:$0x13] =	wrdreg s0;
	s0 =	simm.s32 @!p0 $0x0;
	(pc) =	sbr.rel .LBB2_1-.Ltmp0, $4  }
0x16: {  	[dreg:$0xb] =	wrdreg s2;
	s0 =	simm.s32 @p0 $0x1;
	p0 =	seq.s32 s7, $0x0  }
0x17: {  	s3 =	smax.u32 s3, $0x1;
	v1 =	vcombine.low v1, v0;
	[smem:$0x7FC] =	sst s0;
	s0 =	simm.s32 @!p0 $0x0  }
0x18: {  	s5 =	simm.s32 $0x5;
	[dreg:$0x11] =	wrdreg s3;
	s0 =	simm.s32 @p0 $0x1  }
0x19: {  	vm0 =	vcmask $0x3F3C;
	s9 =	simm.s32 $0x1A980;
	v0 =	vlaneseq.u32;
	s2 =	simm.s32 $0x0;
	v1 =	vand.u32 $0xF, v1;
	[smem:$0x7FD] =	sst s0  }
.LBB2_18:
0x1a: {  	[sflag:s18] =	ssyncadd.s32 $0xFFFFFF80  }
.LBB2_19:
0x1b: {  	s2 =	sadd.s32 $0x1, s2;
	s0 =	rddreg [dreg:$0x11]  }
0x1c: {  	p0 =	sne.s32 s2, s0  }
.Ltmp1:
0x1d: {  	_ = 	snop;
	(pc) =	sbr.rel @!p0 .LBB2_20-.Ltmp1, $1  }
0x1e: {  	_ =	sdelay $0x3  }
.LBB2_1:
0x1f: {  	[dreg:$0x14] =	wrdreg s2  }
0x20: {  	s0 =	rddreg [dreg:$0xa];
	s14 =	simm.s32 $0x1A900  }
0x21: {  	[tilespmem:s14], [sflag:$0x5] =	stream.linear.gather [hbm4b:s0+s13], $0x80, $0x38;
	[tilespmem:$0x1EB00] =	vst v63  }
0x22: {  	_ =	swait.ge [sflag:s5], $0x80  }
0x23: {  	[sflag:s5] =	ssyncset.done $0x0  }
0x24: {  	s16 =	sld [smem:$0x7FC];
	[sflag:s5] =	ssyncadd.s32 $0xFFFFFF80  }
0x25: {  	s3 =	simm.s32 $0x80;
	s15 =	rddreg [dreg:$0x0]  }
0x26: {  	[tilespmem:s9], [sflag:$0x1] =	stream.indirect.gather [hbm4b:s15+s3], $0x80, s14, s3, $0xb8;
	[tilespmem:$0x1EB00] =	vst v63  }
0x27: {  	p0 =	seq.s32 s16, $0x1  }
0x28: {  	s2 =	rddreg [dreg:$0x9];
	s0 =	simm.s32 @!p0 $0x0  }
0x29: {  	[tilespmem:s0], [sflag:$0x2] =	stream.linear.gather @!p0 [hbm4b:s2+s0], $0x18700, $0x38;
	[tilespmem:$0x1EB00] =	vst v63  }
0x2a: {  	s3 =	rddreg [dreg:$0xb];
	s2 =	simm.s32 @!p0 $0x19900  }
0x2b: {  	[tilespmem:s2], [sflag:$0x5] =	stream.linear.gather @!p0 [hbm4b:s3+s0], $0x800, $0x38;
	[tilespmem:$0x1EB00] =	vst v63  }
0x2c: {  	s0 =	simm.s32 @!p0 $0x5  }
0x2d: {  	_ =	swait.ge @!p0 [sflag:s0], $0x800  }
0x2e: {  	[sflag:s0] =	ssyncset.done @!p0 $0x0  }
0x2f: {  	s18 =	simm.s32 $0x18700;
	s17 =	rddreg [dreg:$0xc];
	[sflag:s0] =	ssyncadd.s32 @!p0 $0xFFFFF800  }
0x30: {  	[tilespmem:s18], [sflag:$0x5] =	stream.linear.gather [hbm4b:s17+s13], $0x100, $0x38;
	[tilespmem:$0x1EB00] =	vst v63  }
0x31: {  	_ =	swait.ge [sflag:s5], $0x100  }
0x32: {  	[sflag:s5] =	ssyncset.done $0x0  }
0x33: {  	s19 =	simm.s32 $0x18720;
	[sflag:s5] =	ssyncadd.s32 $0xFFFFFF00  }
0x34: {  	v2 =	vld [tilespmem:s19+$0x10]  }
0x35: {  	v3 =	vld [tilespmem:s19+$0xFFFFFFF0]  }
0x36: {  	v4 =	vld [tilespmem:s19+$0x0]  }
0x37: {  	v5 =	vld [tilespmem:s19+$0xFFFFFFE0];
	_ =	sdelay $0x2  }
0x38: {  	s20 =	rddreg [dreg:$0x12];
	v2 =	vshll.u32 v2, $0xD  }
0x39: {  	s21 =	sadd.s32 $0xFFFFFFE0, s20;
	v3 =	vshll.u32 v3, $0xD;
	v4 =	vshll.u32 v4, $0xD;
	v2 =	vor.u32 s20, v2  }
0x3a: {  	s22 =	sadd.s32 $0xFFFFFFD0, s20;
	v5 =	vshll.u32 v5, $0xD;
	v3 =	vor.u32 s21, v3;
	v2 =	vor.u32 v0, v2  }
0x3b: {  	s23 =	sadd.s32 $0xFFFFFFF0, s20;
	v5 =	vadd.s32 s22, v5;
	v3 =	vor.u32 v0, v3;
	v6 =	vxor.u32 $0x80000000, v2  }
0x3c: {  	v4 =	vor.u32 s23, v4;
	(xrf1) =	vsort.ascd.msk.u32 $0xffff, v6, v2;
	v2 =	vadd.s32 v0, v5;
	v5 =	vxor.u32 $0x80000000, v3  }
0x3d: {  	v4 =	vor.u32 v0, v4;
	v6 =	vxor.u32 $0x80000000, v2;
	(xrf1) =	vsort.ascd.msk.u32 $0xffff, v5, v3  }
0x3e: {  	s24 =	simm.s32 $0x18760;
	v3 =	vxor.u32 $0x80000000, v4;
	(xrf1) =	vsort.ascd.msk.u32 $0xffff, v6, v2  }
0x3f: {  	v5 =	vld [tilespmem:s24+$0x0];
	(xrf1) =	vsort.ascd.msk.u32 $0xffff, v3, v4  }
0x40: {  	v2 =	vld [tilespmem:s24+$0x10]  }
0x41: {  	v3 =	vld [tilespmem:s24+$0xFFFFFFF0]  }
0x42: {  	v4 =	vld [tilespmem:s24+$0xFFFFFFE0];
	_ =	sdelay $0x2  }
0x43: {  	s25 =	sadd.s32 $0x40, s20;
	v2 =	vshll.u32 v2, $0xD  }
0x44: {  	s26 =	sadd.s32 $0xFFFFFFE0, s25;
	v5 =	vshll.u32 v5, $0xD;
	v2 =	vor.u32 s25, v2;
	v3 =	vshll.u32 v3, $0xD  }
0x45: {  	s3 =	sadd.s32 $0xFFFFFFD0, s25;
	v4 =	vshll.u32 v4, $0xD;
	v2 =	vor.u32 v0, v2;
	v3 =	vor.u32 s26, v3  }
0x46: {  	v4 =	vadd.s32 s3, v4;
	v6 =	vxor.u32 $0x80000000, v2;
	v3 =	vor.u32 v0, v3  }
0x47: {  	s28 =	sadd.s32 $0xFFFFFFF0, s25;
	v4 =	vadd.s32 v0, v4;
	(xrf1) =	vsort.ascd.msk.u32 $0xffff, v6, v2  }
0x48: {  	v2 =	vor.u32 s28, v5;
	v6 =	vxor.u32 $0x80000000, v3;
	v5, _, _ =	vpop (xrf1)  }
0x49: {  	s29 =	simm.s32 $0x187A0;
	v7 =	vxor.u32 $0x80000000, v4;
	v2 =	vor.u32 v0, v2;
	(xrf1) =	vsort.ascd.msk.u32 $0xffff, v6, v3;
	v5 =	vxor.u32 $0x80000000, v5;
	v3, _, _ =	vpop (xrf1)  }
0x4a: {  	v9 =	vld [tilespmem:s29+$0x10];
	v6 =	vxor.u32 $0x80000000, v2;
	(xrf1) =	vsort.ascd.msk.u32 $0xffff, v7, v4;
	v8 =	vshrl.u32 v5, $0xD;
	v4, _, _ =	vpop (xrf1)  }
0x4b: {  	v12 =	vld [tilespmem:s29+$0x0];
	(xrf1) =	vsort.ascd.msk.u32 $0xffff, v6, v2;
	v7 =	vperm.xlane v8, v1;
	v2 =	vxor.u32 $0x80000000, v4;
	v4, _, _ =	vpop (xrf1)  }
0x4c: {  	v3 =	vxor.u32 $0x80000000, v3;
	v10 =	vshrl.u32 v2, $0xD;
	v11 =	vxor.u32 $0x80000000, v4;
	v4 =	vld [tilespmem:s29+$0xFFFFFFF0]  }
0x4d: {  	v15 =	vld [tilespmem:s29+$0xFFFFFFE0];
	v6 =	vshrl.u32 v3, $0xD;
	vm1 =	vne.s32 v8, v7;
	v7 =	vperm.xlane v10, v1  }
0x4e: {  	v13 =	vperm.xlane v6, v1;
	v8 =	vshrl.u32 v11, $0xD;
	vm1 =	vmor vm1, vm0  }
0x4f: {  	v14 =	vperm.xlane v8, v1;
	v5 =	vnsel vm1, $0xFFFFFFFF, v5;
	vm1 =	vne.s32 v10, v7  }
0x50: {  	s0 =	sadd.s32 $0x40, s25;
	v7 =	vshll.u32 v12, $0xD;
	vm3 =	vmor vm1, vm0;
	vm1 =	vne.s32 v6, v13  }
0x51: {  	s2 =	simm.s32 $0x18820;
	s30 =	sadd.s32 $0xFFFFFFE0, s0;
	vm4 =	vne.s32 v8, v14;
	v6 =	vshll.u32 v9, $0xD;
	v4 =	vshll.u32 v4, $0xD  }
0x52: {  	s4 =	sadd.s32 $0xFFFFFFF0, s0;
	[tilespmem:s2+$0x10] =	vst v5;
	v5 =	vshll.u32 v15, $0xD;
	v6 =	vor.u32 s0, v6;
	v4 =	vor.u32 s30, v4  }
0x53: {  	s31 =	sadd.s32 $0xFFFFFFD0, s0;
	v7 =	vor.u32 s4, v7;
	v2 =	vnsel vm3, $0xFFFFFFFF, v2;
	v6 =	vor.u32 v0, v6  }
0x54: {  	[tilespmem:s2+$0xFFFFFFE0] =	vst v2;
	v2 =	vadd.s32 s31, v5;
	v8 =	vxor.u32 $0x80000000, v6;
	v5 =	vor.u32 v0, v4  }
0x55: {  	vm2 =	vmor vm1, vm0;
	v7 =	vor.u32 v0, v7;
	(xrf1) =	vsort.ascd.msk.u32 $0xffff, v8, v6;
	v6 =	vxor.u32 $0x80000000, v5;
	v4, _, _ =	vpop (xrf1)  }
0x56: {  	v10 =	vxor.u32 $0x80000000, v7;
	v2 =	vadd.s32 v0, v2;
	v4 =	vxor.u32 $0x80000000, v4  }
0x57: {  	vm1 =	vmor vm4, vm0;
	v9 =	vxor.u32 $0x80000000, v2;
	(xrf1) =	vsort.ascd.msk.u32 $0xffff, v6, v5;
	v5, _, _ =	vpop (xrf1);
	v8 =	vshrl.u32 v4, $0xD  }
0x58: {  	(xrf1) =	vsort.ascd.msk.u32 $0xffff, v9, v2;
	v2 =	vxor.u32 $0x80000000, v5;
	v6, _, _ =	vpop (xrf1);
	v5 =	vnsel vm2, $0xFFFFFFFF, v3;
	v9 =	vperm.xlane v8, v1  }
0x59: {  	s3 =	simm.s32 $0x8;
	s4 =	simm.s32 $0x187E0;
	(xrf1) =	vsort.ascd.msk.u32 $0xffff, v10, v7;
	v7 =	vnsel vm1, $0xFFFFFFFF, v11;
	v3 =	vxor.u32 $0x80000000, v6;
	v6 =	vshrl.u32 v2, $0xD;
	v10, _, _ =	vpop (xrf1)  }
.LBB2_2:
0x5a: {  	v11 =	vld [tilespmem:s4+$0x10];
	s3 =	sadd.s32 $0x4, s3;
	v12 =	vshrl.u32 v3, $0xD;
	v13 =	vxor.u32 $0x80000000, v10;
	vm1 =	vne.s32 v8, v9;
	[tilespmem:s2+$0xFFFFFFF0] =	vst v5  }
0x5b: {  	v5 =	vld [tilespmem:s4+$0xFFFFFFF0];
	p0 =	slt.u32 s3, $0xC;
	v8 =	vperm.xlane v12, v1;
	v9 =	vshrl.u32 v13, $0xD;
	vm1 =	vmor vm1, vm0;
	[tilespmem:s2+$0x0] =	vst v7  }
0x5c: {  	v10 =	vperm.xlane v6, v1;
	s2 =	sadd.s32 $0x40, s2;
	v7 =	vld [tilespmem:s4+$0x0];
	v14 =	vperm.xlane v9, v1;
	v4 =	vnsel vm1, $0xFFFFFFFF, v4  }
0x5d: {  	v15 =	vld [tilespmem:s4+$0xFFFFFFE0];
	vm1 =	vne.s32 v12, v8;
	[tilespmem:s2+$0x10] =	vst v4  }
0x5e: {  	vm3 =	vmor vm1, vm0;
	vm1 =	vne.s32 v6, v10;
	vm4 =	vne.s32 v9, v14  }
0x5f: {  	s0 =	sadd.s32 $0x40, s0;
	v4 =	vshll.u32 v11, $0xD;
	vm2 =	vmor vm1, vm0;
	vm1 =	vmor vm4, vm0  }
0x60: {  	s6 =	sadd.s32 $0xFFFFFFD0, s0;
	s7 =	sadd.s32 $0xFFFFFFE0, s0;
	s8 =	sadd.s32 $0xFFFFFFF0, s0;
	v3 =	vnsel vm3, $0xFFFFFFFF, v3;
	v5 =	vshll.u32 v5, $0xD;
	v4 =	vor.u32 s0, v4  }
0x61: {  	v5 =	vor.u32 s7, v5;
	v6 =	vshll.u32 v7, $0xD;
	v8 =	vor.u32 v0, v4;
	[tilespmem:s2+$0xFFFFFFE0] =	vst v3  }
0x62: {  	v3 =	vshll.u32 v15, $0xD;
	v6 =	vor.u32 s8, v6;
	v7 =	vxor.u32 $0x80000000, v8  }
.Ltmp2:
0x63: {  	v5 =	vor.u32 v0, v5;
	v3 =	vadd.s32 s6, v3;
	v6 =	vor.u32 v0, v6;
	(xrf1) =	vsort.ascd.msk.u32 $0xffff, v7, v8;
	v4, _, _ =	vpop (xrf1);
	(pc) =	sbr.rel @p0 .LBB2_2-.Ltmp2, $4  }
0x64: {  	v11 =	vxor.u32 $0x80000000, v5;
	v12 =	vadd.s32 v0, v3;
	v4 =	vxor.u32 $0x80000000, v4  }
0x65: {  	v14 =	vxor.u32 $0x80000000, v6;
	v9 =	vxor.u32 $0x80000000, v12;
	(xrf1) =	vsort.ascd.msk.u32 $0xffff, v11, v5;
	v8 =	vshrl.u32 v4, $0xD;
	v7, _, _ =	vpop (xrf1)  }
0x66: {  	v5 =	vnsel vm2, $0xFFFFFFFF, v2;
	(xrf1) =	vsort.ascd.msk.u32 $0xffff, v9, v12;
	v9 =	vperm.xlane v8, v1;
	v3, _, _ =	vpop (xrf1);
	v2 =	vxor.u32 $0x80000000, v7  }
0x67: {  	s4 =	sadd.s32 $0x40, s4;
	v7 =	vnsel vm1, $0xFFFFFFFF, v13;
	(xrf1) =	vsort.ascd.msk.u32 $0xffff, v14, v6;
	v3 =	vxor.u32 $0x80000000, v3;
	v6 =	vshrl.u32 v2, $0xD;
	v10, _, _ =	vpop (xrf1)  }
0x68: {  	_ =	sdelay $0x5  }
0x69: {  	v11 =	vshrl.u32 v3, $0xD;
	v10 =	vxor.u32 $0x80000000, v10  }
0x6a: {  	vm1 =	vne.s32 v8, v9;
	v12 =	vperm.xlane v11, v1;
	v48 =	vshrl.u32 v10, $0xD  }
0x6b: {  	v49 =	vperm.xlane v6, v1;
	vm1 =	vmor vm1, vm0;
	v13 =	vperm.xlane v48, v1  }
0x6c: {  	v4 =	vnsel vm1, $0xFFFFFFFF, v4;
	vm2 =	vne.s32 v11, v12  }
0x6d: {  	vm1 =	vmor vm2, vm0;
	vm2 =	vne.s32 v6, v49;
	vm3 =	vne.s32 v48, v13;
	v50, _, _ =	vpop (xrf1)  }
0x6e: {  	vm2 =	vmor vm2, vm0;
	vm3 =	vmor vm3, vm0;
	v51, _, _ =	vpop (xrf1)  }
0x6f: {  	v3 =	vnsel vm1, $0xFFFFFFFF, v3;
	v2 =	vnsel vm2, $0xFFFFFFFF, v2;
	v6 =	vxor.u32 $0x80000000, v50;
	v53, _, _ =	vpop (xrf1)  }
0x70: {  	[tilespmem:s2+$0xFFFFFFF0] =	vst v5;
	v59 =	vnsel vm3, $0xFFFFFFFF, v10;
	v52 =	vshrl.u32 v6, $0xD;
	v11 =	vxor.u32 $0x80000000, v53  }
0x71: {  	[tilespmem:s2+$0x0] =	vst v7;
	s0 =	sadd.s32 $0x40, s2;
	v54 =	vxor.u32 $0x80000000, v51;
	v55 =	vperm.xlane v52, v1;
	v57, _, _ =	vpop (xrf1);
	v58 =	vshrl.u32 v11, $0xD  }
0x72: {  	[tilespmem:s0+$0x10] =	vst v4;
	v56 =	vshrl.u32 v54, $0xD;
	v60 =	vxor.u32 $0x80000000, v57;
	v61 =	vperm.xlane v58, v1  }
0x73: {  	[tilespmem:s0+$0xFFFFFFE0] =	vst v3;
	vm1 =	vne.s32 v52, v55;
	v62 =	vperm.xlane v56, v1;
	v3 =	vshrl.u32 v60, $0xD  }
0x74: {  	[tilespmem:s0+$0xFFFFFFF0] =	vst v2;
	vm1 =	vmor vm1, vm0;
	v2 =	vperm.xlane v3, v1;
	vm2 =	vne.s32 v58, v61  }
0x75: {  	[tilespmem:s0+$0x0] =	vst v59;
	s0 =	sadd.s32 $0x40, s0;
	v63 =	vnsel vm1, $0xFFFFFFFF, v6;
	vm1 =	vmor vm2, vm0;
	vm2 =	vne.s32 v56, v62  }
0x76: {  	[tilespmem:s0+$0x10] =	vst v63;
	vm3 =	vne.s32 v3, v2;
	vm2 =	vmor vm2, vm0;
	v2 =	vnsel vm1, $0xFFFFFFFF, v11  }
0x77: {  	vm1 =	vmor vm3, vm0;
	[tilespmem:s0+$0xFFFFFFE0] =	vst v2;
	v2 =	vnsel vm2, $0xFFFFFFFF, v54  }
0x78: {  	v3 =	vnsel vm1, $0xFFFFFFFF, v60;
	[tilespmem:s0+$0xFFFFFFF0] =	vst v2  }
0x79: {  	[tilespmem:s0+$0x0] =	vst v3  }
0x7a: {  	s30 =	simm.s32 $0x18800;
	s0 =	rddreg [dreg:$0xd]  }
0x7b: {  	[spmem:s0] =	stream.linear.scatter [tilespmem:s30], [sflag:$0x5], $0x100, $0x38;
	[tilespmem:$0x1EB00] =	vst v63  }
0x7c: {  	_ =	swait.ge [sflag:s5], $0x100  }
0x7d: {  	[sflag:s5] =	ssyncset.done $0x0  }
0x7e: {  	[sflag:s5] =	ssyncadd.s32 $0xFFFFFF00  }
0x7f: {  	[bflag:$0x0] =	sbarrier.arrive $0xFFFF  }
0x80: {  	s31 =	sld [smem:$0x7FD];
	_ =	sdelay $0x2  }
0x81: {  	p0 =	seq.s32 s31, $0x1  }
.Ltmp3:
0x82: {  	_ = 	snop;
	(pc) =	sbr.rel @p0 .LBB2_5-.Ltmp3, $1  }
0x83: {  	_ =	sdelay $0x3  }
.Ltmp4:
0x84: {  	s0 =	simm.s32 $0x1;
	(pc) =	sbr.rel .LBB2_10-.Ltmp4, $4  }
0x85: {  	_ =	swait.ge [sflag:s0], $0x4000  }
0x86: {  	[sflag:s0] =	ssyncset.done $0x0  }
0x87: {  	s31 =	rddreg [dreg:$0xe];
	[sflag:s0] =	ssyncadd.s32 $0xFFFFC000;
	s0 =	simm.s32 $0x5  }
0x88: {  	[hbm4b:s31+s13] =	stream.linear.scatter [tilespmem:s9], [sflag:$0x5], $0x4000, $0x38;
	[tilespmem:$0x1EB00] =	vst v63  }
.LBB2_5:
0x89: {  	s0 =	rddreg [dreg:$0x6];
	s2 =	simm.s32 $0x18900  }
0x8a: {  	[tilespmem:s2], [sflag:$0x5] =	stream.linear.gather [spmem:s0], $0x1000, $0x38;
	[tilespmem:$0x1EB00] =	vst v63  }
0x8b: {  	_ =	swait.ge [sflag:s5], $0x1000  }
0x8c: {  	[sflag:s5] =	ssyncset.done $0x0  }
0x8d: {  	s28 =	simm.s32 $0x1;
	[sflag:s5] =	ssyncadd.s32 $0xFFFFF000  }
0x8e: {  	_ =	swait.ge [sflag:s28], $0x4000  }
0x8f: {  	[sflag:s28] =	ssyncset.done $0x0  }
0x90: {  	s30 =	simm.s32 $0x2;
	s29 =	rddreg [dreg:$0xf];
	[sflag:s28] =	ssyncadd.s32 $0xFFFFC000  }
0x91: {  	[hbm4b:s29+s13] =	stream.linear.scatter [tilespmem:s9], [sflag:$0x4], $0x4000, $0x38;
	[tilespmem:$0x1EB00] =	vst v63  }
0x92: {  	_ =	swait.ge [sflag:s30], $0x18700  }
0x93: {  	[sflag:s30] =	ssyncset.done $0x0  }
0x94: {  	s31 =	simm.s32 $0x18940;
	[sflag:s30] =	ssyncadd.s32 $0xFFFE7900  }
0x95: {  	v2 =	vld [tilespmem:s31+$0x30]  }
0x96: {  	v3 =	vld [tilespmem:s31+$0xFFFFFFD0]  }
0x97: {  	v4 =	vld [tilespmem:s31+$0xFFFFFFE0]  }
0x98: {  	v5 =	vld [tilespmem:s31+$0xFFFFFFF0]  }
0x99: {  	v6 =	vld [tilespmem:s31+$0x0]  }
0x9a: {  	v12 =	vld [tilespmem:s31+$0x10];
	vm2 =	vgt.s32 v2, $0xFFFFFFFF  }
0x9b: {  	v14 =	vld [tilespmem:s31+$0x20];
	v13 =	vshrl.u32 v3, $0xD;
	vm5 =	vgt.s32 v3, $0xFFFFFFFF;
	v9 =	vshrl.u32 v2, $0xD  }
0x9c: {  	s3 =	simm.s32 $0x189C0;
	v15 =	vld [tilespmem:s31+$0xFFFFFFC0];
	v16 =	vand.u32 $0x1FFF, v3;
	v17 =	vshrl.u32 v4, $0xD;
	vm6 =	vgt.s32 v4, $0xFFFFFFFF  }
0x9d: {  	v7 =	vld [tilespmem:s3+$0x30];
	v18 =	vand.u32 $0x1FFF, v4;
	v19 =	vshrl.u32 v5, $0xD;
	vm7 =	vgt.s32 v5, $0xFFFFFFFF  }
0x9e: {  	v20 =	vld [tilespmem:s3+$0xFFFFFFD0];
	v21 =	vand.u32 $0x1FFF, v5;
	v22 =	vshrl.u32 v6, $0xD;
	vm8 =	vgt.s32 v6, $0xFFFFFFFF  }
0x9f: {  	v5 =	vld [tilespmem:s3+$0xFFFFFFE0];
	v8 =	vshrl.u32 v12, $0xD;
	vm1 =	vgt.s32 v12, $0xFFFFFFFF;
	v2 =	vand.u32 $0x1FFF, v2  }
0xa0: {  	v4 =	vld [tilespmem:s3+$0xFFFFFFF0];
	v23 =	vand.u32 $0x1FFF, v6;
	v10 =	vshrl.u32 v14, $0xD;
	vm3 =	vgt.s32 v14, $0xFFFFFFFF;
	[tilespmem:v9+s13+$0x0] =	vst.idx.msk vm2, v2  }
0xa1: {  	v3 =	vld [tilespmem:s3+$0x0];
	v11 =	vand.u32 $0x1FFF, v15;
	vm4 =	vgt.s32 v15, $0xFFFFFFFF;
	v9 =	vshrl.u32 v15, $0xD;
	[tilespmem:v13+s13+$0x0] =	vst.idx.msk vm5, v16  }
0xa2: {  	v2 =	vld [tilespmem:s3+$0x10];
	vm2 =	vgt.s32 v7, $0xFFFFFFFF;
	[tilespmem:v17+s13+$0x0] =	vst.idx.msk vm6, v18;
	v18 =	vand.u32 $0x1FFF, v12;
	v17 =	vand.u32 $0x1FFF, v14  }
0xa3: {  	v6 =	vld [tilespmem:s3+$0x20];
	v12 =	vshrl.u32 v20, $0xD;
	vm5 =	vgt.s32 v20, $0xFFFFFFFF;
	v16 =	vshrl.u32 v7, $0xD;
	[tilespmem:v19+s13+$0x0] =	vst.idx.msk vm7, v21  }
0xa4: {  	s2 =	simm.s32 $0x0;
	s0 =	simm.s32 $0x8;
	v13 =	vld [tilespmem:s3+$0xFFFFFFC0];
	v15 =	vand.u32 $0x1FFF, v20;
	v14 =	vshrl.u32 v5, $0xD;
	vm6 =	vgt.s32 v5, $0xFFFFFFFF;
	s3 =	simm.s32 $0x18A40;
	[tilespmem:v22+s13+$0x0] =	vst.idx.msk vm8, v23  }
.LBB2_6:
0xa5: {  	v19 =	vld [tilespmem:s3+$0x30];
	s0 =	sadd.s32 $0x8, s0;
	v20 =	vand.u32 $0x1FFF, v5;
	v21 =	vshrl.u32 v4, $0xD;
	vm7 =	vgt.s32 v4, $0xFFFFFFFF;
	[tilespmem:v8+s13+$0x0] =	vst.idx.msk vm1, v18  }
0xa6: {  	v23 =	vand.u32 $0x1FFF, v4;
	v22 =	vld [tilespmem:s3+$0xFFFFFFD0];
	p0 =	slt.u32 s0, $0xF8;
	v24 =	vshrl.u32 v3, $0xD;
	vm8 =	vgt.s32 v3, $0xFFFFFFFF;
	[tilespmem:v10+s13+$0x0] =	vst.idx.msk vm3, v17  }
0xa7: {  	v7 =	vand.u32 $0x1FFF, v7;
	v5 =	vld [tilespmem:s3+$0xFFFFFFE0];
	v8 =	vshrl.u32 v2, $0xD;
	vm1 =	vgt.s32 v2, $0xFFFFFFFF;
	[tilespmem:v9+s13+$0x0] =	vst.idx.msk vm4, v11  }
.Ltmp5:
0xa8: {  	v25 =	vand.u32 $0x1FFF, v3;
	v4 =	vld [tilespmem:s3+$0xFFFFFFF0];
	v10 =	vshrl.u32 v6, $0xD;
	vm3 =	vgt.s32 v6, $0xFFFFFFFF;
	[tilespmem:v16+s13+$0x0] =	vst.idx.msk vm2, v7;
	(pc) =	sbr.rel @p0 .LBB2_6-.Ltmp5, $4  }
0xa9: {  	v3 =	vld [tilespmem:s3+$0x0];
	v9 =	vshrl.u32 v13, $0xD;
	v11 =	vand.u32 $0x1FFF, v13;
	vm4 =	vgt.s32 v13, $0xFFFFFFFF;
	[tilespmem:v12+s13+$0x0] =	vst.idx.msk vm5, v15  }
0xaa: {  	v18 =	vand.u32 $0x1FFF, v2;
	v17 =	vand.u32 $0x1FFF, v6;
	vm2 =	vgt.s32 v19, $0xFFFFFFFF;
	[tilespmem:v14+s13+$0x0] =	vst.idx.msk vm6, v20;
	v2 =	vld [tilespmem:s3+$0x10];
	v7 =	vmovc v19  }
0xab: {  	v12 =	vshrl.u32 v22, $0xD;
	vm5 =	vgt.s32 v22, $0xFFFFFFFF;
	v6 =	vld [tilespmem:s3+$0x20];
	v16 =	vshrl.u32 v7, $0xD;
	[tilespmem:v21+s13+$0x0] =	vst.idx.msk vm7, v23  }
0xac: {  	v15 =	vand.u32 $0x1FFF, v22;
	v13 =	vld [tilespmem:s3+$0xFFFFFFC0];
	v14 =	vshrl.u32 v5, $0xD;
	vm6 =	vgt.s32 v5, $0xFFFFFFFF;
	s3 =	sadd.s32 $0x80, s3;
	[tilespmem:v24+s13+$0x0] =	vst.idx.msk vm8, v25  }
0xad: {  	_ =	sdelay $0x4  }
0xae: {  	vm7 =	vgt.s32 v4, $0xFFFFFFFF;
	[tilespmem:v8+s13+$0x0] =	vst.idx.msk vm1, v18  }
0xaf: {  	v8 =	vshrl.u32 v4, $0xD;
	[tilespmem:v10+s13+$0x0] =	vst.idx.msk vm3, v17;
	vm1 =	vgt.s32 v3, $0xFFFFFFFF  }
0xb0: {  	[tilespmem:v9+s13+$0x0] =	vst.idx.msk vm4, v11;
	v61 =	vshrl.u32 v3, $0xD;
	vm3 =	vgt.s32 v2, $0xFFFFFFFF  }
0xb1: {  	v7 =	vand.u32 $0x1FFF, v7;
	[tilespmem:v12+s13+$0x0] =	vst.idx.msk vm5, v15;
	v62 =	vshrl.u32 v2, $0xD;
	vm15 =	vgt.s32 v6, $0xFFFFFFFF  }
0xb2: {  	v5 =	vand.u32 $0x1FFF, v5;
	[tilespmem:v16+s13+$0x0] =	vst.idx.msk vm2, v7;
	v7 =	vshrl.u32 v6, $0xD;
	vm2 =	vgt.s32 v13, $0xFFFFFFFF  }
0xb3: {  	v4 =	vand.u32 $0x1FFF, v4;
	[tilespmem:v14+s13+$0x0] =	vst.idx.msk vm6, v5;
	v63 =	vshrl.u32 v13, $0xD  }
0xb4: {  	v3 =	vand.u32 $0x1FFF, v3;
	[tilespmem:v8+s13+$0x0] =	vst.idx.msk vm7, v4  }
0xb5: {  	v2 =	vand.u32 $0x1FFF, v2;
	[tilespmem:v61+s13+$0x0] =	vst.idx.msk vm1, v3  }
0xb6: {  	v3 =	vand.u32 $0x1FFF, v6;
	[tilespmem:v62+s13+$0x0] =	vst.idx.msk vm3, v2  }
0xb7: {  	v2 =	vand.u32 $0x1FFF, v13;
	[tilespmem:v7+s13+$0x0] =	vst.idx.msk vm15, v3  }
0xb8: {  	s0 =	simm.s32 $0x19940;
	[tilespmem:v63+s13+$0x0] =	vst.idx.msk vm2, v2  }
0xb9: {  	v2 =	vld [tilespmem:s0+$0x30]  }
0xba: {  	v3 =	vld [tilespmem:s0+$0xFFFFFFD0]  }
0xbb: {  	v4 =	vld [tilespmem:s0+$0xFFFFFFE0]  }
0xbc: {  	v5 =	vld [tilespmem:s0+$0xFFFFFFF0]  }
0xbd: {  	v6 =	vld [tilespmem:s0+$0x0]  }
0xbe: {  	v8 =	vld [tilespmem:s0+$0x10]  }
0xbf: {  	v9 =	vld [tilespmem:s0+$0x20]  }
0xc0: {  	v10 =	vld [tilespmem:s0+$0xFFFFFFC0]  }
0xc1: {  	v11 =	vld.idx.msk [tilespmem:v2+s13+$0x0], $0xffff  }
0xc2: {  	v12 =	vld.idx.msk [tilespmem:v3+s13+$0x0], $0xffff  }
0xc3: {  	v7 =	vld.idx.msk [tilespmem:v4+s13+$0x0], $0xffff  }
0xc4: {  	v5 =	vld.idx.msk [tilespmem:v5+s13+$0x0], $0xffff  }
0xc5: {  	v2 =	vld.idx.msk [tilespmem:v6+s13+$0x0], $0xffff  }
0xc6: {  	s0 =	simm.s32 $0x1A140;
	v3 =	vld.idx.msk [tilespmem:v8+s13+$0x0], $0xffff  }
0xc7: {  	v4 =	vld.idx.msk [tilespmem:v9+s13+$0x0], $0xffff;
	[tilespmem:s0+$0x30] =	vst v11  }
0xc8: {  	s3 =	simm.s32 $0x199C0;
	v6 =	vld.idx.msk [tilespmem:v10+s13+$0x0], $0xffff;
	[tilespmem:s0+$0xFFFFFFD0] =	vst v12  }
.LBB2_8:
0xc9: {  	v8 =	vld [tilespmem:s3+$0x30];
	s2 =	sadd.s32 $0x8, s2;
	[tilespmem:s0+$0xFFFFFFE0] =	vst v7  }
0xca: {  	v7 =	vld [tilespmem:s3+$0xFFFFFFD0];
	p0 =	slt.u32 s2, $0x78;
	[tilespmem:s0+$0xFFFFFFF0] =	vst v5  }
0xcb: {  	v5 =	vld [tilespmem:s3+$0xFFFFFFE0];
	[tilespmem:s0+$0x0] =	vst v2  }
0xcc: {  	v2 =	vld [tilespmem:s3+$0xFFFFFFF0];
	[tilespmem:s0+$0x10] =	vst v3  }
0xcd: {  	v3 =	vld [tilespmem:s3+$0x0];
	[tilespmem:s0+$0x20] =	vst v4  }
0xce: {  	v4 =	vld [tilespmem:s3+$0x10];
	[tilespmem:s0+$0xFFFFFFC0] =	vst v6  }
0xcf: {  	v6 =	vld [tilespmem:s3+$0x20]  }
0xd0: {  	v9 =	vld [tilespmem:s3+$0xFFFFFFC0]  }
0xd1: {  	v8 =	vld.idx.msk [tilespmem:v8+s13+$0x0], $0xffff  }
0xd2: {  	v10 =	vld.idx.msk [tilespmem:v7+s13+$0x0], $0xffff  }
0xd3: {  	v7 =	vld.idx.msk [tilespmem:v5+s13+$0x0], $0xffff  }
.Ltmp6:
0xd4: {  	v5 =	vld.idx.msk [tilespmem:v2+s13+$0x0], $0xffff;
	(pc) =	sbr.rel @p0 .LBB2_8-.Ltmp6, $4  }
0xd5: {  	v2 =	vld.idx.msk [tilespmem:v3+s13+$0x0], $0xffff  }
0xd6: {  	s0 =	sadd.s32 $0x80, s0;
	v3 =	vld.idx.msk [tilespmem:v4+s13+$0x0], $0xffff  }
0xd7: {  	v4 =	vld.idx.msk [tilespmem:v6+s13+$0x0], $0xffff;
	[tilespmem:s0+$0x30] =	vst v8  }
0xd8: {  	s3 =	sadd.s32 $0x80, s3;
	v6 =	vld.idx.msk [tilespmem:v9+s13+$0x0], $0xffff;
	[tilespmem:s0+$0xFFFFFFD0] =	vst v10  }
0xd9: {  	[tilespmem:s0+$0xFFFFFFE0] =	vst v7  }
0xda: {  	[tilespmem:s0+$0xFFFFFFF0] =	vst v5  }
0xdb: {  	[tilespmem:s0+$0x0] =	vst v2  }
0xdc: {  	[tilespmem:s0+$0x10] =	vst v3  }
0xdd: {  	[tilespmem:s0+$0x20] =	vst v4  }
0xde: {  	s31 =	rddreg [dreg:$0x7];
	s2 =	simm.s32 $0x1A100;
	[tilespmem:s0+$0xFFFFFFC0] =	vst v6  }
0xdf: {  	[spmem:s31] =	stream.linear.scatter [tilespmem:s2], [sflag:$0x5], $0x800, $0x38;
	[tilespmem:$0x1EB00] =	vst v63  }
0xe0: {  	_ =	swait.ge [sflag:s5], $0x800  }
0xe1: {  	[sflag:s5] =	ssyncset.done $0x0  }
0xe2: {  	s0 =	simm.s32 $0x4;
	[sflag:s5] =	ssyncadd.s32 $0xFFFFF800  }
.LBB2_10:
0xe3: {  	_ =	swait.ge [sflag:s0], $0x4000  }
0xe4: {  	[sflag:s0] =	ssyncset.done $0x0  }
0xe5: {  	[sflag:s0] =	ssyncadd.s32 $0xFFFFC000  }
0xe6: {  	[bflag:$0x0] =	sbarrier.arrive $0xFFFF  }
0xe7: {  	s29 =	simm.s32 $0x1A900;
	s2 =	rddreg [dreg:$0x10]  }
0xe8: {  	[tilespmem:s29], [sflag:$0x5] =	stream.linear.gather [spmem:s2], $0x80, $0x38;
	[tilespmem:$0x1EB00] =	vst v63  }
0xe9: {  	_ =	swait.ge [sflag:s5], $0x80  }
0xea: {  	[sflag:s5] =	ssyncset.done $0x0  }
0xeb: {  	[sflag:s5] =	ssyncadd.s32 $0xFFFFFF80  }
0xec: {  	v2 =	vld [tilespmem:s29+$0x0];
	_ =	sdelay $0x4  }
0xed: {  	(v2sf) =	vpush v2, $0xB  }
0xee: {  	(v2sf) =	vpush v2, $0x9  }
0xef: {  	(v2sf) =	vpush v2, $0x2  }
0xf0: {  	(v2sf) =	vpush v2, $0x4;
	_ =	sdelay $0x1  }
0xf1: {  	(v2sf) =	vpush v2, $0x3  }
0xf2: {  	(v2sf) =	vpush v2, $0x1;
	_ =	sdelay $0x1  }
0xf3: {  	(v2sf) =	vpush v2, $0x0;
	_ =	sdelay $0x1  }
0xf4: {  	(v2sf) =	vpush v2, $0x6;
	_ =	sdelay $0x4  }
0xf5: {  	s30 =	simm.s32 $0x0;
	(v2sf) =	vpush v2, $0xA;
	s0 =	spop (v2sf)  }
0xf6: {  	s31 =	simm.s32 $0x2000;
	s26 =	simm.s32 $0x0;
	s10 =	spop (v2sf)  }
0xf7: {  	s2 =	simm.s32 $0x1A910;
	p3 =	slt.s32 s0, $0x0;
	s6 =	spop (v2sf)  }
0xf8: {  	p5 =	slt.s32 s10, $0x0;
	s0 =	sshll.u32 @!p3 s0, $0x4;
	s7 =	spop (v2sf)  }
0xf9: {  	s4 =	simm.s32 @!p5 $0x1AE00;
	s0 =	sand.u32 @!p3 $0x1FFFFFF0, s0;
	p1 =	slt.s32 s6, $0x0  }
0xfa: {  	s10 =	sshll.u32 @!p5 s10, $0x4;
	s8 =	spop (v2sf);
	s3 =	sadd.s32 @!p3 s1, s0  }
0xfb: {  	(v2sf) =	vpush v2, $0x5;
	s6 =	sshll.u32 @!p1 s6, $0x4;
	s10 =	sand.u32 @!p5 $0x1FFFFFF0, s10;
	s9 =	spop (v2sf)  }
0xfc: {  	p6 =	slt.s32 s8, $0x0;
	s6 =	sand.u32 @!p1 $0x1FFFFFF0, s6;
	s10 =	sadd.s32 @!p5 s1, s10  }
0xfd: {  	(v2sf) =	vpush v2, $0x8;
	s0 =	spop (v2sf);
	s8 =	sshll.u32 @!p6 s8, $0x4;
	s12 =	simm.s32 @!p6 $0x1AB00  }
0xfe: {  	p2 =	slt.s32 s9, $0x0;
	s6 =	sadd.s32 @!p1 s1, s6;
	p0 =	slt.s32 s0, $0x0  }
0xff: {  	s11 =	spop (v2sf);
	s8 =	sand.u32 @!p6 $0x1FFFFFF0, s8;
	s0 =	sshll.u32 @!p0 s0, $0x4  }
0x100: {  	(v2sf) =	vpush v2, $0x7;
	s13 =	simm.s32 @!p0 $0x0;
	s14 =	simm.s32 @!p0 $0x1A980;
	s19 =	sadd.s32 @!p6 s1, s8  }
0x101: {  	s8 =	sshll.u32 @!p2 s9, $0x4;
	p4 =	slt.s32 s11, $0x0;
	s0 =	sand.u32 @!p0 $0x1FFFFFF0, s0  }
0x102: {  	vm1 =	vgt.s32 v2, $0xFFFFFFFF;
	s9 =	simm.s32 @!p2 $0x0;
	s8 =	sand.u32 @!p2 $0x1FFFFFF0, s8;
	s0 =	sadd.s32 @!p0 s1, s0  }
0x103: {  	v3 =	vmpcnt.ones.xlane vm1;
	[tilespmem:s14], [sflag:$0x3] =	stream.linear.gather @!p0 [hbm4b:s0+s13], $0x80, $0x38;
	[tilespmem:$0x1EB00] =	vst v63  }
0x104: {  	s21 =	simm.s32 @!p4 $0x0;
	s8 =	sadd.s32 @!p2 s1, s8;
	s13 =	spop (v2sf)  }
0x105: {  	(v2sf) =	vpush v3, $0x0;
	s0 =	simm.s32 @!p6 $0x0;
	p0 =	slt.s32 s7, $0x0;
	s14 =	simm.s32 @!p2 $0x1AA00  }
0x106: {  	[tilespmem:s14], [sflag:$0x3] =	stream.linear.gather @!p2 [hbm4b:s8+s9], $0x80, $0x38;
	[tilespmem:$0x1EB00] =	vst v63  }
0x107: {  	s7 =	sshll.u32 @!p0 s7, $0x4;
	s25 =	simm.s32 @!p0 $0x0;
	p2 =	slt.s32 s13, $0x0  }
0x108: {  	s9 =	simm.s32 @!p1 $0x1AA80;
	s14 =	simm.s32 @!p1 $0x0;
	s22 =	simm.s32 @!p2 $0x1AE80  }
0x109: {  	[tilespmem:s9], [sflag:$0x3] =	stream.linear.gather @!p1 [hbm4b:s6+s14], $0x80, $0x38;
	[tilespmem:$0x1EB00] =	vst v63  }
0x10a: {  	s5 =	simm.s32 @!p2 $0x0;
	s8 =	spop (v2sf);
	s6 =	sand.u32 @!p0 $0x1FFFFFF0, s7  }
0x10b: {  	s9 =	sshll.u32 @!p2 s13, $0x4;
	s5 =	simm.s32 @p2 $0x1;
	p1 =	slt.s32 s8, $0x0  }
0x10c: {  	s7 =	sadd.s32 @!p0 s1, s6;
	s15 =	spop (v2sf);
	s17 =	sand.u32 @!p2 $0x1FFFFFF0, s9  }
0x10d: {  	s9 =	sshll.u32 @!p4 s11, $0x4;
	[smem:$0x7F8] =	sst s5;
	s5 =	simm.s32 @!p3 $0x0  }
0x10e: {  	s11 =	simm.s32 @!p3 $0x1AF00;
	s6 =	sshll.u32 @!p1 s8, $0x4;
	s8 =	simm.s32 @!p0 $0x1AB80  }
0x10f: {  	s20 =	simm.s32 @!p1 $0x1AC00;
	s23 =	spop (v2sf);
	s5 =	simm.s32 @p3 $0x1  }
0x110: {  	s6 =	sand.u32 @!p1 $0x1FFFFFF0, s6;
	[smem:$0x7F9] =	sst s5;
	p3 =	slt.s32 s23, $0x0  }
0x111: {  	(v2sf) =	vpush v2, $0xF;
	s5 =	simm.s32 @!p5 $0x0;
	s13 =	sadd.s32 @!p1 s1, s6;
	s6 =	sand.u32 @!p4 $0x1FFFFFF0, s9  }
0x112: {  	(v2sf) =	vpush v2, $0xD;
	s9 =	simm.s32 @!p4 $0x1AC80;
	s24 =	sshll.u32 @!p3 s23, $0x4;
	s5 =	simm.s32 @p5 $0x1  }
0x113: {  	(v2sf) =	vpush v2, $0xE;
	s14 =	sadd.s32 @!p4 s1, s6;
	s6 =	sadd.s32 @!p2 s1, s17;
	p2 =	slt.s32 s15, $0x0  }
0x114: {  	s17 =	spop (v2sf);
	(v2sf) =	vpush v2, $0xC;
	[smem:$0x7FA] =	sst s5;
	s15 =	sshll.u32 @!p2 s15, $0x4  }
.LBB2_11:
0x115: {  	[tilespmem:s12], [sflag:$0x3] =	stream.linear.gather @!p6 [hbm4b:s19+s0], $0x80, $0x38;
	[tilespmem:$0x1EB00] =	vst v63  }
0x116: {  	s23 =	smov.u32 s30;
	s5 =	sld [smem:$0x7F9]  }
0x117: {  	s19 =	sshra.s32 @!p2 s26, $0x2;
	s30 =	sadd.s32 s30, s17;
	s16 =	sld [smem:$0x7FA]  }
0x118: {  	[tilespmem:s8], [sflag:$0x3] =	stream.linear.gather @!p0 [hbm4b:s7+s25], $0x80, $0x38;
	[tilespmem:$0x1EB00] =	vst v63  }
0x119: {  	s15 =	sand.u32 @!p2 $0x1FFFFFF0, s15;
	s17 =	simm.s32 @!p1 $0x0;
	s18 =	sld [smem:$0x7F8]  }
0x11a: {  	[tilespmem:s20], [sflag:$0x3] =	stream.linear.gather @!p1 [hbm4b:s13+s17], $0x80, $0x38;
	[tilespmem:$0x1EB00] =	vst v63  }
0x11b: {  	s15 =	sadd.s32 @!p2 s1, s15;
	s7 =	sshra.s32 @!p3 s26, $0x2;
	s13 =	sand.u32 @!p3 $0x1FFFFFF0, s24  }
0x11c: {  	[tilespmem:s9], [sflag:$0x3] =	stream.linear.gather @!p4 [hbm4b:s14+s21], $0x80, $0x38;
	[tilespmem:$0x1EB00] =	vst v63  }
0x11d: {  	s7 =	sadd.s32 @!p3 $0x1AD00, s7;
	s13 =	sadd.s32 @!p3 s1, s13;
	s9 =	simm.s32 @!p3 $0x0  }
0x11e: {  	[tilespmem:s7], [sflag:$0x3] =	stream.linear.gather @!p3 [hbm4b:s13+s9], $0x80, $0x38;
	[tilespmem:$0x1EB00] =	vst v63  }
0x11f: {  	s8 =	sadd.s32 @!p2 $0x1AD80, s19;
	p0 =	seq.s32 s5, $0x1;
	s14 =	simm.s32 @!p2 $0x0  }
0x120: {  	[tilespmem:s8], [sflag:$0x3] =	stream.linear.gather @!p2 [hbm4b:s15+s14], $0x80, $0x38;
	[tilespmem:$0x1EB00] =	vst v63  }
0x121: {  	p6 =	seq.s32 s18, $0x1;
	p3 =	seq.s32 s16, $0x1;
	s12 =	spop (v2sf)  }
0x122: {  	s5 =	simm.s32 @!p0 $0x0;
	s7 =	simm.s32 @!p3 $0x0;
	s17 =	spop (v2sf)  }
0x123: {  	[tilespmem:s4], [sflag:$0x3] =	stream.linear.gather @!p3 [hbm4b:s10+s7], $0x80, $0x38;
	[tilespmem:$0x1EB00] =	vst v63  }
0x124: {  	s19 =	simm.s32 @!p0 $0x0;
	s5 =	simm.s32 @p0 $0x1;
	s20 =	spop (v2sf)  }
0x125: {  	[smem:$0x7F9] =	sst s5;
	s9 =	simm.s32 @!p6 $0x0;
	s21 =	spop (v2sf)  }
0x126: {  	[tilespmem:s22], [sflag:$0x3] =	stream.linear.gather @!p6 [hbm4b:s6+s9], $0x80, $0x38;
	[tilespmem:$0x1EB00] =	vst v63  }
0x127: {  	p1 =	slt.s32 s17, $0x0;
	s22 =	sld [smem:$0x7F9];
	p5 =	slt.s32 s21, $0x0  }
0x128: {  	p0 =	slt.s32 s20, $0x0;
	s13 =	simm.s32 @!p1 $0x0;
	s8 =	sshra.s32 @!p5 s26, $0x2  }
0x129: {  	s14 =	sshll.u32 @!p5 s21, $0x4;
	s15 =	simm.s32 @!p5 $0x0;
	s4 =	sadd.s32 @!p5 $0x1AF80, s8  }
0x12a: {  	s7 =	sand.u32 @!p5 $0x1FFFFFF0, s14;
	s8 =	sshll.u32 @!p1 s17, $0x4;
	p2 =	seq.s32 s22, $0x1  }
0x12b: {  	s6 =	sadd.s32 @!p5 s1, s7;
	s7 =	sshra.s32 @!p1 s26, $0x2;
	s8 =	sand.u32 @!p1 $0x1FFFFFF0, s8  }
0x12c: {  	[tilespmem:s11], [sflag:$0x3] =	stream.linear.gather @!p2 [hbm4b:s3+s19], $0x80, $0x38;
	[tilespmem:$0x1EB00] =	vst v63  }
0x12d: {  	s3 =	sadd.s32 @!p1 $0x1B000, s7;
	s7 =	sadd.s32 @!p1 s1, s8;
	s8 =	sshll.u32 @!p0 s20, $0x4  }
0x12e: {  	[tilespmem:s4], [sflag:$0x3] =	stream.linear.gather @!p5 [hbm4b:s6+s15], $0x80, $0x38;
	[tilespmem:$0x1EB00] =	vst v63  }
0x12f: {  	p2 =	slt.s32 s12, $0x0;
	s4 =	sshra.s32 @!p0 s26, $0x2;
	s6 =	sand.u32 @!p0 $0x1FFFFFF0, s8  }
0x130: {  	s8 =	sshll.u32 @!p2 s12, $0x4;
	s4 =	sadd.s32 @!p0 $0x1B080, s4;
	s6 =	sadd.s32 @!p0 s1, s6  }
0x131: {  	[tilespmem:s3], [sflag:$0x3] =	stream.linear.gather @!p1 [hbm4b:s7+s13], $0x80, $0x38;
	[tilespmem:$0x1EB00] =	vst v63  }
0x132: {  	s8 =	sand.u32 @!p2 $0x1FFFFFF0, s8;
	s3 =	simm.s32 @!p0 $0x0;
	s7 =	sshra.s32 @!p2 s26, $0x2  }
0x133: {  	[tilespmem:s4], [sflag:$0x3] =	stream.linear.gather @!p0 [hbm4b:s6+s3], $0x80, $0x38;
	[tilespmem:$0x1EB00] =	vst v63  }
0x134: {  	s9 =	simm.s32 @!p2 $0x0;
	s8 =	sadd.s32 @!p2 s1, s8;
	s7 =	sadd.s32 @!p2 $0x1B100, s7  }
0x135: {  	[tilespmem:s7], [sflag:$0x3] =	stream.linear.gather @!p2 [hbm4b:s8+s9], $0x80, $0x38;
	[tilespmem:$0x1EB00] =	vst v63  }
0x136: {  	v2 =	vld [tilespmem:s2+$0x0];
	_ =	sdelay $0x4  }
0x137: {  	(v2sf) =	vpush v2, $0xB  }
0x138: {  	(v2sf) =	vpush v2, $0x9  }
0x139: {  	(v2sf) =	vpush v2, $0x2;
	_ =	sdelay $0x1  }
0x13a: {  	(v2sf) =	vpush v2, $0x4  }
0x13b: {  	(v2sf) =	vpush v2, $0x3;
	_ =	sdelay $0x1  }
0x13c: {  	(v2sf) =	vpush v2, $0x1;
	_ =	sdelay $0x4  }
0x13d: {  	s29 =	smov.u32 s31;
	s31 =	sadd.s32 $0x2000, s31  }
0x13e: {  	p0 =	seq.s32 s31, $0x10000;
	(v2sf) =	vpush v2, $0x0  }
0x13f: {  	s3 =	simm.s32 @!p0 $0x0;
	(v2sf) =	vpush v2, $0x6  }
0x140: {  	s3 =	simm.s32 @p0 $0x1;
	s0 =	spop (v2sf)  }
0x141: {  	s26 =	smov.u32 s29;
	[smem:$0x7F7] =	sst s3;
	(v2sf) =	vpush v2, $0xA;
	s11 =	spop (v2sf)  }
0x142: {  	p0 =	slt.s32 s0, $0x0;
	p1 =	slt.s32 s11, $0x0;
	s7 =	spop (v2sf)  }
0x143: {  	(v2sf) =	vpush v2, $0x5;
	s0 =	sshll.u32 @!p0 s0, $0x4;
	s17 =	sshra.s32 @!p0 s26, $0x2;
	s3 =	simm.s32 @!p1 $0x0  }
0x144: {  	s8 =	spop (v2sf);
	s0 =	sand.u32 @!p0 $0x1FFFFFF0, s0;
	p2 =	slt.s32 s7, $0x0  }
0x145: {  	s3 =	simm.s32 @p1 $0x1;
	s9 =	spop (v2sf);
	s10 =	sshra.s32 @!p2 s26, $0x2  }
0x146: {  	s7 =	sshll.u32 @!p2 s7, $0x4;
	s29 =	simm.s32 @!p2 $0x0;
	[smem:$0x7FA] =	sst s3  }
0x147: {  	s3 =	simm.s32 @!p0 $0x0;
	s6 =	spop (v2sf);
	p5 =	slt.s32 s9, $0x0  }
0x148: {  	s7 =	sand.u32 @!p2 $0x1FFFFFF0, s7;
	s10 =	sadd.s32 @!p2 $0x1AA80, s10;
	s3 =	simm.s32 @p0 $0x1  }
0x149: {  	s12 =	sshra.s32 @!p5 s26, $0x2;
	s9 =	sshll.u32 @!p5 s9, $0x4;
	s24 =	sadd.s32 @!p2 s1, s7  }
0x14a: {  	p3 =	slt.s32 s6, $0x0;
	[smem:$0x7F9] =	sst s3;
	s3 =	sshra.s32 @!p1 s26, $0x2  }
0x14b: {  	s12 =	sadd.s32 @!p5 $0x1AB00, s12;
	s9 =	sand.u32 @!p5 $0x1FFFFFF0, s9;
	s16 =	simm.s32 @!p3 $0x0  }
0x14c: {  	s6 =	sshll.u32 @!p3 s6, $0x4;
	s4 =	sadd.s32 @!p1 $0x1AE00, s3;
	s3 =	sadd.s32 @!p0 s1, s0  }
0x14d: {  	s0 =	spop (v2sf);
	s19 =	sadd.s32 @!p5 s1, s9;
	p0 =	slt.s32 s8, $0x0  }
0x14e: {  	s6 =	sand.u32 @!p3 $0x1FFFFFF0, s6;
	p1 =	slt.s32 s0, $0x0;
	s13 =	spop (v2sf)  }
0x14f: {  	s8 =	sshll.u32 @!p0 s8, $0x4;
	s6 =	sadd.s32 @!p3 s1, s6;
	s14 =	sshra.s32 @!p1 s26, $0x2  }
0x150: {  	s0 =	sshll.u32 @!p1 s0, $0x4;
	s15 =	spop (v2sf);
	s21 =	simm.s32 @!p1 $0x0  }
0x151: {  	p4 =	slt.s32 s13, $0x0;
	s8 =	sand.u32 @!p0 $0x1FFFFFF0, s8;
	s20 =	sand.u32 @!p1 $0x1FFFFFF0, s0  }
0x152: {  	s14 =	sadd.s32 @!p1 $0x1A980, s14;
	p6 =	slt.s32 s15, $0x0;
	s9 =	spop (v2sf)  }
0x153: {  	s7 =	sadd.s32 @!p0 s1, s8;
	s22 =	sshra.s32 @!p4 s26, $0x2;
	s20 =	sadd.s32 @!p1 s1, s20  }
0x154: {  	vm1 =	vgt.s32 v2, $0xFFFFFFFF;
	(v2sf) =	vpush v2, $0x8;
	[tilespmem:s14], [sflag:$0x3] =	stream.linear.gather @!p1 [hbm4b:s20+s21], $0x80, $0x38;
	[tilespmem:$0x1EB00] =	vst v63  }
0x155: {  	v3 =	vmpcnt.ones.xlane vm1;
	(v2sf) =	vpush v2, $0x7;
	s28 =	sshll.u32 @!p4 s13, $0x4;
	s15 =	sshll.u32 @!p6 s15, $0x4;
	s14 =	sshra.s32 @!p0 s26, $0x2  }
0x156: {  	p1 =	slt.s32 s9, $0x0;
	s8 =	sadd.s32 @!p0 $0x1AB80, s14;
	s14 =	sshra.s32 @!p3 s26, $0x2  }
0x157: {  	(v2sf) =	vpush v3, $0x0;
	s5 =	sshra.s32 @!p6 s26, $0x2;
	s9 =	sshll.u32 @!p1 s9, $0x4;
	s14 =	sadd.s32 @!p3 $0x1AA00, s14  }
0x158: {  	[tilespmem:s14], [sflag:$0x3] =	stream.linear.gather @!p3 [hbm4b:s6+s16], $0x80, $0x38;
	[tilespmem:$0x1EB00] =	vst v63  }
0x159: {  	s15 =	sand.u32 @!p6 $0x1FFFFFF0, s15;
	s13 =	sshra.s32 @!p1 s26, $0x2;
	s9 =	sand.u32 @!p1 $0x1FFFFFF0, s9  }
0x15a: {  	[tilespmem:s10], [sflag:$0x3] =	stream.linear.gather @!p2 [hbm4b:s24+s29], $0x80, $0x38;
	[tilespmem:$0x1EB00] =	vst v63  }
0x15b: {  	s20 =	sadd.s32 @!p1 $0x1AC00, s13;
	s13 =	sadd.s32 @!p1 s1, s9;
	s24 =	sld [smem:$0x7FA]  }
0x15c: {  	s9 =	sadd.s32 @!p4 $0x1AC80, s22;
	s22 =	sadd.s32 @!p6 $0x1AE80, s5;
	s5 =	simm.s32 @!p6 $0x0  }
0x15d: {  	s0 =	simm.s32 @!p5 $0x0;
	s6 =	sadd.s32 @!p6 s1, s15;
	s5 =	simm.s32 @p6 $0x1  }
0x15e: {  	p6 =	por p5, p5;
	s29 =	sld [smem:$0x7F7];
	p5 =	seq.s32 s24, $0x1  }
0x15f: {  	s28 =	sand.u32 @!p4 $0x1FFFFFF0, s28;
	s10 =	sshll.u32 @!p5 s11, $0x4  }
0x160: {  	s14 =	sadd.s32 @!p4 s1, s28;
	s10 =	sand.u32 @!p5 $0x1FFFFFF0, s10  }
0x161: {  	s28 =	sld [smem:$0x7F9];
	s10 =	sadd.s32 @!p5 s1, s10;
	p5 =	seq.s32 s29, $0x1  }
.Ltmp7:
0x162: {  	s2 =	sadd.s32 $0x10, s2;
	(pc) =	sbr.rel @!p5 .LBB2_11-.Ltmp7, $4  }
0x163: {  	s25 =	simm.s32 @!p0 $0x0;
	(v2sf) =	vpush v2, $0xF;
	s21 =	simm.s32 @!p4 $0x0;
	s18 =	spop (v2sf)  }
0x164: {  	[smem:$0x7F8] =	sst s5;
	(v2sf) =	vpush v2, $0xD;
	p2 =	seq.s32 s28, $0x1;
	s5 =	spop (v2sf)  }
0x165: {  	(v2sf) =	vpush v2, $0xE;
	s11 =	sadd.s32 @!p2 $0x1AF00, s17;
	p2 =	slt.s32 s18, $0x0;
	p3 =	slt.s32 s5, $0x0  }
0x166: {  	(v2sf) =	vpush v2, $0xC;
	s15 =	sshll.u32 @!p2 s18, $0x4;
	s17 =	spop (v2sf);
	s24 =	sshll.u32 @!p3 s5, $0x4  }
0x167: {  	[tilespmem:s12], [sflag:$0x3] =	stream.linear.gather @!p6 [hbm4b:s19+s0], $0x80, $0x38;
	[tilespmem:$0x1EB00] =	vst v63  }
0x168: {  	_ = 	snop  }
0x169: {  	[tilespmem:s8], [sflag:$0x3] =	stream.linear.gather @!p0 [hbm4b:s7+s25], $0x80, $0x38;
	[tilespmem:$0x1EB00] =	vst v63  }
0x16a: {  	s0 =	simm.s32 @!p1 $0x0;
	s2 =	sand.u32 @!p3 $0x1FFFFFF0, s24  }
0x16b: {  	[tilespmem:s20], [sflag:$0x3] =	stream.linear.gather @!p1 [hbm4b:s13+s0], $0x80, $0x38;
	[tilespmem:$0x1EB00] =	vst v63  }
0x16c: {  	s5 =	simm.s32 @!p3 $0x0;
	s25 =	sld [smem:$0x7FA];
	s0 =	sshra.s32 @!p3 s26, $0x2  }
0x16d: {  	[tilespmem:s9], [sflag:$0x3] =	stream.linear.gather @!p4 [hbm4b:s14+s21], $0x80, $0x38;
	[tilespmem:$0x1EB00] =	vst v63  }
0x16e: {  	s28 =	sld [smem:$0x7F8];
	s2 =	sadd.s32 @!p3 s1, s2;
	s0 =	sadd.s32 @!p3 $0x1AD00, s0  }
0x16f: {  	[tilespmem:s0], [sflag:$0x3] =	stream.linear.gather @!p3 [hbm4b:s2+s5], $0x80, $0x38;
	[tilespmem:$0x1EB00] =	vst v63  }
0x170: {  	p0 =	seq.s32 s25, $0x1;
	s0 =	sshra.s32 @!p2 s26, $0x2;
	s2 =	sand.u32 @!p2 $0x1FFFFFF0, s15  }
0x171: {  	s5 =	simm.s32 @!p2 $0x0;
	s0 =	sadd.s32 @!p2 $0x1AD80, s0;
	s2 =	sadd.s32 @!p2 s1, s2  }
0x172: {  	[tilespmem:s0], [sflag:$0x3] =	stream.linear.gather @!p2 [hbm4b:s2+s5], $0x80, $0x38;
	[tilespmem:$0x1EB00] =	vst v63  }
0x173: {  	s0 =	simm.s32 @!p0 $0x0  }
0x174: {  	[tilespmem:s4], [sflag:$0x3] =	stream.linear.gather @!p0 [hbm4b:s10+s0], $0x80, $0x38;
	[tilespmem:$0x1EB00] =	vst v63  }
0x175: {  	p0 =	seq.s32 s28, $0x1  }
0x176: {  	s29 =	sld [smem:$0x7F9];
	s0 =	simm.s32 @!p0 $0x0  }
0x177: {  	[tilespmem:s22], [sflag:$0x3] =	stream.linear.gather @!p0 [hbm4b:s6+s0], $0x80, $0x38;
	[tilespmem:$0x1EB00] =	vst v63  }
0x178: {  	s0 =	spop (v2sf)  }
0x179: {  	p0 =	seq.s32 s29, $0x1;
	s2 =	spop (v2sf)  }
0x17a: {  	s5 =	simm.s32 @!p0 $0x0;
	s4 =	spop (v2sf)  }
0x17b: {  	[tilespmem:s11], [sflag:$0x3] =	stream.linear.gather @!p0 [hbm4b:s3+s5], $0x80, $0x38;
	[tilespmem:$0x1EB00] =	vst v63  }
0x17c: {  	s6 =	spop (v2sf)  }
0x17d: {  	p0 =	slt.s32 s6, $0x0  }
0x17e: {  	s3 =	sshll.u32 @!p0 s6, $0x4  }
0x17f: {  	s5 =	sshra.s32 @!p0 s26, $0x2;
	s3 =	sand.u32 @!p0 $0x1FFFFFF0, s3  }
0x180: {  	s6 =	simm.s32 @!p0 $0x0;
	s5 =	sadd.s32 @!p0 $0x1AF80, s5;
	s3 =	sadd.s32 @!p0 s1, s3  }
0x181: {  	[tilespmem:s5], [sflag:$0x3] =	stream.linear.gather @!p0 [hbm4b:s3+s6], $0x80, $0x38;
	[tilespmem:$0x1EB00] =	vst v63  }
0x182: {  	p0 =	slt.s32 s2, $0x0  }
0x183: {  	s2 =	sshll.u32 @!p0 s2, $0x4  }
0x184: {  	s3 =	sshra.s32 @!p0 s26, $0x2;
	s2 =	sand.u32 @!p0 $0x1FFFFFF0, s2  }
0x185: {  	s5 =	simm.s32 @!p0 $0x0;
	s3 =	sadd.s32 @!p0 $0x1B000, s3;
	s2 =	sadd.s32 @!p0 s1, s2  }
0x186: {  	[tilespmem:s3], [sflag:$0x3] =	stream.linear.gather @!p0 [hbm4b:s2+s5], $0x80, $0x38;
	[tilespmem:$0x1EB00] =	vst v63  }
0x187: {  	p0 =	slt.s32 s4, $0x0  }
0x188: {  	s2 =	sshll.u32 @!p0 s4, $0x4  }
0x189: {  	s3 =	sshra.s32 @!p0 s26, $0x2;
	s2 =	sand.u32 @!p0 $0x1FFFFFF0, s2  }
0x18a: {  	s4 =	simm.s32 @!p0 $0x0;
	s3 =	sadd.s32 @!p0 $0x1B080, s3;
	s2 =	sadd.s32 @!p0 s1, s2  }
0x18b: {  	[tilespmem:s3], [sflag:$0x3] =	stream.linear.gather @!p0 [hbm4b:s2+s4], $0x80, $0x38;
	[tilespmem:$0x1EB00] =	vst v63  }
0x18c: {  	p0 =	slt.s32 s0, $0x0  }
0x18d: {  	s0 =	sshll.u32 @!p0 s0, $0x4  }
0x18e: {  	s31 =	sadd.s32 s30, s17;
	s2 =	sshra.s32 @!p0 s26, $0x2;
	s0 =	sand.u32 @!p0 $0x1FFFFFF0, s0  }
0x18f: {  	s3 =	simm.s32 @!p0 $0x0;
	s2 =	sadd.s32 @!p0 $0x1B100, s2;
	s0 =	sadd.s32 @!p0 s1, s0  }
0x190: {  	[tilespmem:s2], [sflag:$0x3] =	stream.linear.gather @!p0 [hbm4b:s0+s3], $0x80, $0x38;
	[tilespmem:$0x1EB00] =	vst v63  }
0x191: {  	p0 =	slt.s32 s31, $0x1  }
.Ltmp8:
0x192: {  	_ = 	snop;
	(pc) =	sbr.rel @p0 .LBB2_13-.Ltmp8, $4  }
0x193: {  	_ = 	snop  }
0x194: {  	s0 =	simm.s32 @!p0 $0x0  }
0x195: {  	s0 =	simm.s32 @p0 $0x1  }
0x196: {  	s30 =	sadd.s32 s23, s17;
	s18 =	simm.s32 $0x3;
	[smem:$0x7FB] =	sst s0  }
0x197: {  	p0 =	seq.s32 s30, $0x1  }
.Ltmp9:
0x198: {  	_ = 	snop;
	(pc) =	sbr.rel @p0 .LBB2_23-.Ltmp9, $3  }
0x199: {  	_ =	sdelay $0x1  }
0x19a: {  	_ =	swait.ge [sflag:s18], $0x80  }
0x19b: {  	s0 =	sadd.s32 $0xFFFFFFFF, s30;
	[sflag:s18] =	ssyncset.done $0x0  }
.LBB2_22:
0x19c: {  	p0 =	seq.s32 s0, $0x1;
	s0 =	sadd.s32 $0xFFFFFFFF, s0;
	[sflag:s18] =	ssyncadd.s32 $0xFFFFFF80  }
.Ltmp10:
0x19d: {  	(pc) =	sbr.rel @!p0 .LBB2_22-.Ltmp10, $3  }
0x19e: {  	_ =	sdelay $0x1  }
0x19f: {  	_ =	swait.ge [sflag:s18], $0x80  }
0x1a0: {  	[sflag:s18] =	ssyncset.done $0x0  }
.LBB2_23:
0x1a1: {  	[sflag:s18] =	ssyncadd.s32 $0xFFFFFF80  }
.LBB2_13:
0x1a2: {  	s0 =	simm.s32 $0x1A900  }
0x1a3: {  	v2 =	vld [tilespmem:s0+$0x0];
	_ =	sdelay $0x4  }
0x1a4: {  	(v2sf) =	vpush v2, $0x7  }
0x1a5: {  	(v2sf) =	vpush v2, $0x3  }
0x1a6: {  	(v2sf) =	vpush v2, $0x2  }
0x1a7: {  	(v2sf) =	vpush v2, $0x1  }
0x1a8: {  	(v2sf) =	vpush v2, $0x0  }
0x1a9: {  	(v2sf) =	vpush v2, $0xA  }
0x1aa: {  	(v2sf) =	vpush v2, $0x4;
	_ =	sdelay $0x2  }
0x1ab: {  	(v2sf) =	vpush v2, $0x9  }
0x1ac: {  	(v2sf) =	vpush v2, $0x5;
	_ =	sdelay $0x2  }
0x1ad: {  	(v2sf) =	vpush v2, $0x6;
	_ =	sdelay $0x1  }
0x1ae: {  	(v2sf) =	vpush v2, $0x8;
	s24 =	spop (v2sf)  }
0x1af: {  	s2 =	simm.s32 $0x0;
	s23 =	simm.s32 $0x2000;
	s4 =	spop (v2sf)  }
0x1b0: {  	s16 =	rddreg [dreg:$0x13];
	p3 =	slt.s32 s24, $0x0;
	s3 =	spop (v2sf)  }
0x1b1: {  	s26 =	sadd.s32 $0x100, s16;
	s15 =	sadd.s32 @!p3 $0xFFFFFF80, s16;
	s5 =	spop (v2sf)  }
0x1b2: {  	p0 =	slt.s32 s3, $0x0;
	s3 =	simm.s32 $0x1A910;
	s6 =	spop (v2sf)  }
0x1b3: {  	s7 =	simm.s32 @!p0 $0x1AA80;
	p4 =	slt.s32 s5, $0x0;
	s25 =	spop (v2sf)  }
0x1b4: {  	p2 =	slt.s32 s6, $0x0;
	s12 =	simm.s32 @!p4 $0x1AA00;
	s8 =	spop (v2sf)  }
0x1b5: {  	s9 =	simm.s32 @!p2 $0x1A980;
	s0 =	simm.s32 @!p2 $0x0;
	s11 =	sadd.s32 @!p2 $0xFFFFFF10, s16  }
0x1b6: {  	[hbm4b:s11+s0] =	stream.linear.scatter @!p2 [tilespmem:s9], [sflag:$0x3], $0x80, $0x38;
	[tilespmem:$0x1EB00] =	vst v63  }
0x1b7: {  	(v2sf) =	vpush v2, $0xB;
	p1 =	slt.s32 s8, $0x0;
	s28 =	spop (v2sf);
	s0 =	simm.s32 @!p4 $0x0  }
0x1b8: {  	(v2sf) =	vpush v2, $0xC;
	p2 =	slt.s32 s4, $0x0;
	s11 =	sadd.s32 @!p4 $0xFFFFFF20, s16;
	s10 =	spop (v2sf)  }
0x1b9: {  	s5 =	simm.s32 @!p1 $0x1AB80;
	s9 =	simm.s32 @!p1 $0x0;
	s4 =	sadd.s32 @!p1 $0xFFFFFF50, s16  }
0x1ba: {  	(v2sf) =	vpush v2, $0xD;
	[hbm4b:s11+s0] =	stream.linear.scatter @!p4 [tilespmem:s12], [sflag:$0x3], $0x80, $0x38;
	[tilespmem:$0x1EB00] =	vst v63  }
0x1bb: {  	s29 =	spop (v2sf);
	s0 =	sadd.s32 @!p0 $0xFFFFFF30, s16;
	s11 =	simm.s32 @!p0 $0x0  }
0x1bc: {  	s12 =	simm.s32 @!p2 $0x1AB00;
	p4 =	slt.s32 s28, $0x0;
	p6 =	slt.s32 s10, $0x0  }
0x1bd: {  	s31 =	spop (v2sf);
	s6 =	simm.s32 @!p4 $0x1AE00;
	s10 =	simm.s32 @!p6 $0x0  }
0x1be: {  	[hbm4b:s0+s11] =	stream.linear.scatter @!p0 [tilespmem:s7], [sflag:$0x3], $0x80, $0x38;
	[tilespmem:$0x1EB00] =	vst v63  }
0x1bf: {  	s0 =	sadd.s32 @!p2 $0xFFFFFF40, s16;
	s7 =	simm.s32 @!p2 $0x0;
	p5 =	slt.s32 s31, $0x0  }
0x1c0: {  	p0 =	slt.s32 s25, $0x0;
	s8 =	simm.s32 @!p5 $0x1AD80;
	s14 =	simm.s32 @!p5 $0x0  }
0x1c1: {  	[hbm4b:s0+s7] =	stream.linear.scatter @!p2 [tilespmem:s12], [sflag:$0x3], $0x80, $0x38;
	[tilespmem:$0x1EB00] =	vst v63  }
0x1c2: {  	p2 =	slt.s32 s29, $0x0;
	s7 =	simm.s32 @!p3 $0x1AD00;
	s0 =	simm.s32 @!p0 $0x1AE80  }
0x1c3: {  	[hbm4b:s4+s9] =	stream.linear.scatter @!p1 [tilespmem:s5], [sflag:$0x3], $0x80, $0x38;
	[tilespmem:$0x1EB00] =	vst v63  }
0x1c4: {  	s12 =	simm.s32 @!p3 $0x0;
	s4 =	simm.s32 @!p6 $0x1AC00;
	s5 =	sadd.s32 @!p6 $0xFFFFFF60, s16  }
0x1c5: {  	[hbm4b:s5+s10] =	stream.linear.scatter @!p6 [tilespmem:s4], [sflag:$0x3], $0x80, $0x38;
	[tilespmem:$0x1EB00] =	vst v63  }
0x1c6: {  	s13 =	simm.s32 @!p2 $0x1AC80;
	s11 =	spop (v2sf);
	s4 =	sadd.s32 @!p2 $0xFFFFFF70, s16  }
0x1c7: {  	s5 =	simm.s32 @!p2 $0x0;
	s10 =	simm.s32 @!p0 $0x0;
	s9 =	spop (v2sf)  }
0x1c8: {  	(v2sf) =	vpush v2, $0xF;
	[hbm4b:s4+s5] =	stream.linear.scatter @!p2 [tilespmem:s13], [sflag:$0x3], $0x80, $0x38;
	[tilespmem:$0x1EB00] =	vst v63  }
0x1c9: {  	(v2sf) =	vpush v2, $0xE;
	s17 =	spop (v2sf);
	s13 =	sadd.s32 @!p5 $0xFFFFFF90, s16;
	s4 =	smov.u32 s16  }
.LBB2_14:
0x1ca: {  	[hbm4b:s15+s12] =	stream.linear.scatter @!p3 [tilespmem:s7], [sflag:$0x3], $0x80, $0x38;
	[tilespmem:$0x1EB00] =	vst v63  }
0x1cb: {  	s5 =	simm.s32 @!p4 $0x0;
	p2 =	slt.s32 s11, $0x0;
	p1 =	slt.s32 s17, $0x0  }
0x1cc: {  	[hbm4b:s13+s14] =	stream.linear.scatter @!p5 [tilespmem:s8], [sflag:$0x3], $0x80, $0x38;
	[tilespmem:$0x1EB00] =	vst v63  }
0x1cd: {  	s7 =	sadd.s32 @!p4 $0xFFFFFFA0, s4;
	s31 =	smov.u32 s23;
	s23 =	sadd.s32 $0x2000, s23  }
0x1ce: {  	[hbm4b:s7+s5] =	stream.linear.scatter @!p4 [tilespmem:s6], [sflag:$0x3], $0x80, $0x38;
	[tilespmem:$0x1EB00] =	vst v63  }
0x1cf: {  	s11 =	sshra.s32 @!p2 s2, $0x2;
	p3 =	seq.s32 s23, $0x10000;
	s8 =	sadd.s32 @!p0 $0xFFFFFFB0, s4  }
0x1d0: {  	[hbm4b:s8+s10] =	stream.linear.scatter @!p0 [tilespmem:s0], [sflag:$0x3], $0x80, $0x38;
	[tilespmem:$0x1EB00] =	vst v63  }
0x1d1: {  	s12 =	sshra.s32 @!p1 s2, $0x2;
	s11 =	sadd.s32 @!p2 $0x1AF00, s11;
	s8 =	simm.s32 @!p3 $0x0  }
0x1d2: {  	s7 =	simm.s32 @!p2 $0x0;
	p0 =	slt.s32 s9, $0x0;
	s8 =	simm.s32 @p3 $0x1  }
0x1d3: {  	s0 =	sadd.s32 @!p2 $0xFFFFFFC0, s4;
	[smem:$0x7F6] =	sst s8;
	s8 =	sshra.s32 @!p0 s2, $0x2  }
0x1d4: {  	[hbm4b:s0+s7] =	stream.linear.scatter @!p2 [tilespmem:s11], [sflag:$0x3], $0x80, $0x38;
	[tilespmem:$0x1EB00] =	vst v63  }
0x1d5: {  	s10 =	sadd.s32 @!p0 $0xFFFFFFD0, s4;
	s13 =	simm.s32 @!p0 $0x0;
	s8 =	sadd.s32 @!p0 $0x1AF80, s8  }
0x1d6: {  	[hbm4b:s10+s13] =	stream.linear.scatter @!p0 [tilespmem:s8], [sflag:$0x3], $0x80, $0x38;
	[tilespmem:$0x1EB00] =	vst v63  }
0x1d7: {  	s12 =	sadd.s32 @!p1 $0x1B000, s12;
	s0 =	sadd.s32 @!p1 $0xFFFFFFE0, s4;
	s7 =	simm.s32 @!p1 $0x0  }
0x1d8: {  	[hbm4b:s0+s7] =	stream.linear.scatter @!p1 [tilespmem:s12], [sflag:$0x3], $0x80, $0x38;
	[tilespmem:$0x1EB00] =	vst v63  }
0x1d9: {  	s29 =	spop (v2sf)  }
0x1da: {  	s14 =	spop (v2sf)  }
0x1db: {  	p2 =	slt.s32 s14, $0x0  }
0x1dc: {  	p0 =	slt.s32 s29, $0x0;
	s8 =	sshra.s32 @!p2 s2, $0x2;
	s9 =	simm.s32 @!p2 $0x0  }
0x1dd: {  	s0 =	sadd.s32 @!p2 $0xFFFFFFF0, s4;
	s2 =	sshra.s32 @!p0 s2, $0x2;
	s5 =	sadd.s32 @!p2 $0x1B080, s8  }
0x1de: {  	[hbm4b:s0+s9] =	stream.linear.scatter @!p2 [tilespmem:s5], [sflag:$0x3], $0x80, $0x38;
	[tilespmem:$0x1EB00] =	vst v63  }
0x1df: {  	s0 =	sadd.s32 @!p0 $0x1B100, s2;
	s5 =	simm.s32 @!p0 $0x0  }
0x1e0: {  	[hbm4b:s4+s5] =	stream.linear.scatter @!p0 [tilespmem:s0], [sflag:$0x3], $0x80, $0x38;
	[tilespmem:$0x1EB00] =	vst v63  }
0x1e1: {  	v2 =	vld [tilespmem:s3+$0x0];
	_ =	sdelay $0x4  }
0x1e2: {  	(v2sf) =	vpush v2, $0x7  }
0x1e3: {  	(v2sf) =	vpush v2, $0x3  }
0x1e4: {  	(v2sf) =	vpush v2, $0x2  }
0x1e5: {  	(v2sf) =	vpush v2, $0x1  }
0x1e6: {  	(v2sf) =	vpush v2, $0x0  }
0x1e7: {  	(v2sf) =	vpush v2, $0xA  }
0x1e8: {  	(v2sf) =	vpush v2, $0x4;
	_ =	sdelay $0x1  }
0x1e9: {  	(v2sf) =	vpush v2, $0x9;
	_ =	sdelay $0x1  }
0x1ea: {  	(v2sf) =	vpush v2, $0x5;
	_ =	sdelay $0x1  }
0x1eb: {  	(v2sf) =	vpush v2, $0x6  }
0x1ec: {  	(v2sf) =	vpush v2, $0x8  }
0x1ed: {  	s2 =	smov.u32 s31  }
0x1ee: {  	s31 =	sld [smem:$0x7F6];
	s4 =	smov.u32 s26;
	s15 =	spop (v2sf)  }
0x1ef: {  	s26 =	sadd.s32 $0x100, s26;
	s16 =	spop (v2sf);
	p3 =	slt.s32 s15, $0x0  }
0x1f0: {  	s3 =	sadd.s32 $0x10, s3;
	s17 =	spop (v2sf);
	s12 =	simm.s32 @!p3 $0x0  }
0x1f1: {  	s15 =	sadd.s32 @!p3 $0xFFFFFF80, s4;
	p0 =	slt.s32 s17, $0x0;
	s19 =	spop (v2sf)  }
0x1f2: {  	s7 =	sshra.s32 @!p0 s2, $0x2;
	s20 =	spop (v2sf);
	p1 =	slt.s32 s19, $0x0  }
0x1f3: {  	p2 =	slt.s32 s20, $0x0;
	s7 =	sadd.s32 @!p0 $0x1AA80, s7;
	s21 =	spop (v2sf)  }
0x1f4: {  	s13 =	simm.s32 @!p1 $0x0;
	s9 =	sshra.s32 @!p2 s2, $0x2;
	s22 =	spop (v2sf)  }
0x1f5: {  	s0 =	simm.s32 @!p2 $0x0;
	s6 =	sadd.s32 @!p2 $0xFFFFFF10, s4;
	p6 =	slt.s32 s22, $0x0  }
0x1f6: {  	s9 =	sadd.s32 @!p2 $0x1A980, s9;
	s24 =	spop (v2sf);
	s11 =	sshra.s32 @!p6 s2, $0x2  }
0x1f7: {  	[hbm4b:s6+s0] =	stream.linear.scatter @!p2 [tilespmem:s9], [sflag:$0x3], $0x80, $0x38;
	[tilespmem:$0x1EB00] =	vst v63  }
0x1f8: {  	s25 =	spop (v2sf);
	s0 =	sshra.s32 @!p1 s2, $0x2;
	p2 =	slt.s32 s16, $0x0  }
0x1f9: {  	s6 =	sadd.s32 @!p1 $0xFFFFFF20, s4;
	p4 =	slt.s32 s24, $0x0;
	s10 =	simm.s32 @!p6 $0x0  }
0x1fa: {  	s5 =	sadd.s32 @!p6 $0xFFFFFF50, s4;
	s11 =	sadd.s32 @!p6 $0x1AB80, s11;
	s28 =	spop (v2sf)  }
0x1fb: {  	(v2sf) =	vpush v2, $0xB;
	s0 =	sadd.s32 @!p1 $0x1AA00, s0;
	s9 =	sshra.s32 @!p2 s2, $0x2;
	s29 =	spop (v2sf)  }
0x1fc: {  	[hbm4b:s6+s13] =	stream.linear.scatter @!p1 [tilespmem:s0], [sflag:$0x3], $0x80, $0x38;
	(v2sf) =	vpush v2, $0xC;
	[tilespmem:$0x1EB00] =	vst v63  }
0x1fd: {  	s0 =	sadd.s32 @!p0 $0xFFFFFF30, s4;
	s6 =	simm.s32 @!p0 $0x0;
	s9 =	sadd.s32 @!p2 $0x1AB00, s9;
	(v2sf) =	vpush v2, $0xD  }
0x1fe: {  	[hbm4b:s0+s6] =	stream.linear.scatter @!p0 [tilespmem:s7], [sflag:$0x3], $0x80, $0x38;
	[tilespmem:$0x1EB00] =	vst v63  }
0x1ff: {  	p1 =	slt.s32 s25, $0x0;
	s0 =	sadd.s32 @!p2 $0xFFFFFF40, s4;
	s6 =	simm.s32 @!p2 $0x0  }
0x200: {  	[hbm4b:s0+s6] =	stream.linear.scatter @!p2 [tilespmem:s9], [sflag:$0x3], $0x80, $0x38;
	[tilespmem:$0x1EB00] =	vst v63  }
0x201: {  	p5 =	slt.s32 s29, $0x0;
	p0 =	slt.s32 s21, $0x0;
	p2 =	slt.s32 s28, $0x0  }
0x202: {  	s14 =	simm.s32 @!p1 $0x0;
	s8 =	sshra.s32 @!p0 s2, $0x2;
	s9 =	sshra.s32 @!p2 s2, $0x2  }
0x203: {  	s0 =	sshra.s32 @!p3 s2, $0x2;
	s13 =	sadd.s32 @!p2 $0x1AC80, s9;
	s9 =	sshra.s32 @!p1 s2, $0x2  }
0x204: {  	[hbm4b:s5+s10] =	stream.linear.scatter @!p6 [tilespmem:s11], [sflag:$0x3], $0x80, $0x38;
	[tilespmem:$0x1EB00] =	vst v63  }
0x205: {  	s6 =	sshra.s32 @!p4 s2, $0x2;
	s5 =	sadd.s32 @!p1 $0x1AC00, s9;
	s9 =	sadd.s32 @!p1 $0xFFFFFF60, s4  }
0x206: {  	[hbm4b:s9+s14] =	stream.linear.scatter @!p1 [tilespmem:s5], [sflag:$0x3], $0x80, $0x38;
	[tilespmem:$0x1EB00] =	vst v63  }
0x207: {  	s6 =	sadd.s32 @!p4 $0x1AE00, s6;
	s7 =	sadd.s32 @!p3 $0x1AD00, s0;
	p1 =	seq.s32 s31, $0x1  }
.Ltmp11:
0x208: {  	s16 =	sadd.s32 @!p2 $0xFFFFFF70, s4;
	s17 =	simm.s32 @!p2 $0x0;
	(pc) =	sbr.rel @!p1 .LBB2_14-.Ltmp11, $4  }
0x209: {  	[hbm4b:s16+s17] =	stream.linear.scatter @!p2 [tilespmem:s13], [sflag:$0x3], $0x80, $0x38;
	[tilespmem:$0x1EB00] =	vst v63  }
0x20a: {  	s0 =	sadd.s32 @!p0 $0x1AE80, s8;
	s8 =	sshra.s32 @!p5 s2, $0x2;
	s11 =	spop (v2sf)  }
0x20b: {  	(v2sf) =	vpush v2, $0xF;
	s8 =	sadd.s32 @!p5 $0x1AD80, s8;
	s10 =	simm.s32 @!p0 $0x0;
	s9 =	spop (v2sf)  }
0x20c: {  	s14 =	simm.s32 @!p5 $0x0;
	s13 =	sadd.s32 @!p5 $0xFFFFFF90, s4;
	(v2sf) =	vpush v2, $0xE;
	s17 =	spop (v2sf)  }
0x20d: {  	[hbm4b:s15+s12] =	stream.linear.scatter @!p3 [tilespmem:s7], [sflag:$0x3], $0x80, $0x38;
	[tilespmem:$0x1EB00] =	vst v63  }
0x20e: {  	s3 =	simm.s32 @!p4 $0x0  }
0x20f: {  	[hbm4b:s13+s14] =	stream.linear.scatter @!p5 [tilespmem:s8], [sflag:$0x3], $0x80, $0x38;
	[tilespmem:$0x1EB00] =	vst v63  }
0x210: {  	p2 =	slt.s32 s11, $0x0;
	p1 =	slt.s32 s17, $0x0;
	s5 =	sadd.s32 @!p4 $0xFFFFFFA0, s4  }
0x211: {  	[hbm4b:s5+s3] =	stream.linear.scatter @!p4 [tilespmem:s6], [sflag:$0x3], $0x80, $0x38;
	[tilespmem:$0x1EB00] =	vst v63  }
0x212: {  	s7 =	sshra.s32 @!p2 s2, $0x2;
	s8 =	sshra.s32 @!p1 s2, $0x2;
	s3 =	sadd.s32 @!p0 $0xFFFFFFB0, s4  }
0x213: {  	[hbm4b:s3+s10] =	stream.linear.scatter @!p0 [tilespmem:s0], [sflag:$0x3], $0x80, $0x38;
	[tilespmem:$0x1EB00] =	vst v63  }
0x214: {  	s5 =	sadd.s32 @!p2 $0x1AF00, s7;
	s6 =	sadd.s32 @!p1 $0x1B000, s8;
	p0 =	slt.s32 s9, $0x0  }
0x215: {  	s7 =	simm.s32 @!p2 $0x0;
	s3 =	sadd.s32 @!p2 $0xFFFFFFC0, s4;
	s8 =	sshra.s32 @!p0 s2, $0x2  }
0x216: {  	[hbm4b:s3+s7] =	stream.linear.scatter @!p2 [tilespmem:s5], [sflag:$0x3], $0x80, $0x38;
	[tilespmem:$0x1EB00] =	vst v63  }
0x217: {  	s10 =	sadd.s32 @!p0 $0xFFFFFFD0, s4;
	s11 =	simm.s32 @!p0 $0x0;
	s8 =	sadd.s32 @!p0 $0x1AF80, s8  }
0x218: {  	[hbm4b:s10+s11] =	stream.linear.scatter @!p0 [tilespmem:s8], [sflag:$0x3], $0x80, $0x38;
	[tilespmem:$0x1EB00] =	vst v63  }
0x219: {  	s3 =	sadd.s32 @!p1 $0xFFFFFFE0, s4;
	s5 =	simm.s32 @!p1 $0x0  }
0x21a: {  	[hbm4b:s3+s5] =	stream.linear.scatter @!p1 [tilespmem:s6], [sflag:$0x3], $0x80, $0x38;
	[tilespmem:$0x1EB00] =	vst v63  }
0x21b: {  	s28 =	spop (v2sf)  }
0x21c: {  	s29 =	spop (v2sf)  }
0x21d: {  	s31 =	sld [smem:$0x7FB];
	p2 =	slt.s32 s29, $0x0  }
0x21e: {  	p0 =	slt.s32 s28, $0x0;
	s7 =	sshra.s32 @!p2 s2, $0x2;
	s8 =	simm.s32 @!p2 $0x0  }
0x21f: {  	s0 =	sadd.s32 @!p2 $0xFFFFFFF0, s4;
	s2 =	sshra.s32 @!p0 s2, $0x2;
	s3 =	sadd.s32 @!p2 $0x1B080, s7  }
0x220: {  	[hbm4b:s0+s8] =	stream.linear.scatter @!p2 [tilespmem:s3], [sflag:$0x3], $0x80, $0x38;
	[tilespmem:$0x1EB00] =	vst v63  }
0x221: {  	s0 =	sadd.s32 @!p0 $0x1B100, s2;
	s2 =	simm.s32 @!p0 $0x0  }
0x222: {  	[hbm4b:s4+s2] =	stream.linear.scatter @!p0 [tilespmem:s0], [sflag:$0x3], $0x80, $0x38;
	[tilespmem:$0x1EB00] =	vst v63  }
0x223: {  	p0 =	seq.s32 s31, $0x1  }
.Ltmp12:
0x224: {  	_ = 	snop;
	(pc) =	sbr.rel @p0 .LBB2_19-.Ltmp12, $3  }
0x225: {  	_ =	sdelay $0x1  }
0x226: {  	s13 =	simm.s32 $0x0  }
0x227: {  	s9 =	simm.s32 $0x1A980;
	s5 =	simm.s32 $0x5;
	s2 =	rddreg [dreg:$0x14]  }
0x228: {  	p0 =	sne.s32 s30, $0x1  }
.Ltmp13:
0x229: {  	_ = 	snop;
	(pc) =	sbr.rel @!p0 .LBB2_18-.Ltmp13, $3  }
0x22a: {  	_ =	sdelay $0x1  }
0x22b: {  	_ =	swait.ge [sflag:s18], $0x80  }
0x22c: {  	s0 =	sadd.s32 $0xFFFFFFFF, s30;
	[sflag:s18] =	ssyncset.done $0x0  }
.LBB2_17:
0x22d: {  	p0 =	sne.s32 s0, $0x1;
	s0 =	sadd.s32 $0xFFFFFFFF, s0;
	[sflag:s18] =	ssyncadd.s32 $0xFFFFFF80  }
.Ltmp14:
0x22e: {  	(pc) =	sbr.rel @p0 .LBB2_17-.Ltmp14, $3  }
0x22f: {  	_ =	sdelay $0x1  }
0x230: {  	_ =	swait.ge [sflag:s18], $0x80  }
0x231: {  	[sflag:s18] =	ssyncset.done $0x0  }
.Ltmp15:
0x232: {  	_ = 	snop;
	(pc) =	sbr.rel .LBB2_18-.Ltmp15, $1  }
0x233: {  	_ =	sdelay $0x3  }
.LBB2_20:
0x234: {  	_ =	sfence.sel $0x180000  }
0x235: {  	[bflag:$0x0] =	sbarrier.arrive $0xFFFF  }
0x236: {  	_ =	strace $0x90000047  }
0x237: {  	[bflag:$0x2] =	sbarrier.arrive $0xFFFF  }
0x238: {  	s1 =	sld [smem:$0x7FC];
	_ =	sdelay $0x2  }
0x239: {  	s0 =	rddreg [dreg:$0x8];
	p0 =	seq.s32 s1, $0x1  }
0x23a: {  	s0 =	sadd.s32 @!p0 $0x100000, s0  }
0x23b: {  	[sflag:s0] =	ssyncadd.tile.s32 @!p0 $0x1;
	_ =	shalt  }
.Lfunc_end2:
_tile_overlayer_lowered:
.L_overlay_start_2:
0x23c: {  	(tag) =	ssettag $0x2  }
0x23d: {  	s0 =	rddreg [dreg:$0x0];
	s2 =	stileid.u32  }
0x23e: {  	s1 =	rddreg [dreg:$0x1];
	p0 =	sne.s32 s2, $0x0  }
0x23f: {  	s3 =	rddreg [dreg:$0x2];
	[bflag:$0x3] =	sbarrier.arrive $0xFFFF;
	s2 =	simm.s32 @!p0 $0x1C05  }
0x240: {  	[timem:s3], [sflag:s2] =	dma.local @!p0 [hbm:s0], s1  }
0x241: {  	s0 =	simm.s32 @!p0 $0x5  }
0x242: {  	_ =	swait.ge @!p0 [sflag:s0], s1  }
0x243: {  	s1 =	ssub.s32 @!p0 $0x0, s1;
	[sflag:s0] =	ssyncset.done @!p0 $0x0  }
0x244: {  	[sflag:s0] =	ssyncadd.s32 @!p0 s1  }
0x245: {  	[bflag:$0x3] =	sbarrier.arrive $0xFFFF  }
0x246: {  	_ =	shalt  }

</sc_bundles>
